<compile_context>
chip_gen: v7x
topology: tpu7x:2x2x1
jax: 0.10.2.dev20260603
libtpu: 0.0.44.dev20260713+nightly
codegen_flags: <defaults>
</compile_context>

<pallas_src>
import functools

import jax
import jax.numpy as jnp
from jax import lax
from jax.experimental import pallas as pl
from jax.experimental.pallas import tpu as pltpu
from jax.experimental.pallas import tpu_sc as plsc

_EMBED = 64
_LANES = 16


@functools.lru_cache(maxsize=None)
def _build(B):
    info = plsc.get_sparse_core_info()
    nc, ns = info.num_cores, info.num_subcores
    nw = nc * ns
    assert B % nw == 0
    P = B // nw

    mesh = plsc.VectorSubcoreMesh(core_axis_name="c", subcore_axis_name="s")

    @functools.partial(
        pl.kernel,
        mesh=mesh,
        out_type=jax.ShapeDtypeStruct((B,), jnp.float32),
        compiler_params=pltpu.CompilerParams(use_tc_tiling_on_sc=False),
        scratch_types=[
            pltpu.VMEM((P,), jnp.int32),
            pltpu.VMEM((P,), jnp.int32),
            pltpu.VMEM((P, _EMBED), jnp.float32),
            pltpu.VMEM((P, _EMBED), jnp.float32),
            pltpu.VMEM((P,), jnp.float32),
            pltpu.VMEM((P,), jnp.float32),
            pltpu.VMEM((P,), jnp.float32),
            pltpu.SemaphoreType.DMA,
            pltpu.SemaphoreType.DMA,
            pltpu.SemaphoreType.DMA,
            pltpu.SemaphoreType.DMA,
        ],
    )
    def k(ti_hbm, ni_hbm, te_hbm, ne_hbm, tb_hbm, nb_hbm, out_hbm,
          ti_v, ni_v, trow_v, nrow_v, tb_v, nb_v, out_v,
          sem_t, sem_n, sem_tb, sem_nb):
        wid = lax.axis_index("s") * nc + lax.axis_index("c")
        base = wid * P
        pltpu.sync_copy(ti_hbm.at[pl.ds(base, P)], ti_v)
        pltpu.sync_copy(ni_hbm.at[pl.ds(base, P)], ni_v)
        ct = pltpu.async_copy(te_hbm.at[ti_v], trow_v, sem_t)
        cn = pltpu.async_copy(ne_hbm.at[ni_v], nrow_v, sem_n)
        ctb = pltpu.async_copy(tb_hbm.at[ti_v], tb_v, sem_tb)
        cnb = pltpu.async_copy(nb_hbm.at[ni_v], nb_v, sem_nb)
        ct.wait()
        cn.wait()
        ctb.wait()
        cnb.wait()

        lanes = lax.iota(jnp.int32, _LANES)
        dnums = lax.GatherDimensionNumbers(
            offset_dims=(), collapsed_slice_dims=(0,), start_index_map=(0,))

        def shuffle(v, idx):
            return lax.gather(v, idx[:, None], dnums, slice_sizes=(1,),
                              mode=lax.GatherScatterMode.PROMISE_IN_BOUNDS)

        def hsum(v):
            for k in (8, 4, 2, 1):
                v = v + shuffle(v, lanes ^ k)
            return v

        def group(g, carry):
            r0 = g * _LANES
            res = jnp.zeros((_LANES,), jnp.float32)
            for j in range(_LANES):
                r = r0 + j
                acc = trow_v[r, pl.ds(0, _LANES)] * nrow_v[r, pl.ds(0, _LANES)]
                for q in range(1, _EMBED // _LANES):
                    acc = acc + (trow_v[r, pl.ds(q * _LANES, _LANES)]
                                 * nrow_v[r, pl.ds(q * _LANES, _LANES)])
                res = jnp.where(lanes == j, hsum(acc), res)
            res = res - (tb_v[pl.ds(r0, _LANES)] + nb_v[pl.ds(r0, _LANES)])
            out_v[pl.ds(r0, _LANES)] = 1.0 / (1.0 + jnp.exp(-res))
            return carry

        lax.fori_loop(0, P // _LANES, group, 0)
        pltpu.sync_copy(out_v, out_hbm.at[pl.ds(base, P)])

    return k


def kernel(x, track_embedding, name_embedding, track_bias, name_bias):
    ti = x[:, 0].astype(jnp.int32)
    ni = x[:, 1].astype(jnp.int32)
    tb = -track_bias[:, 0]
    nb = -name_bias[:, 0]
    return _build(x.shape[0])(ti, ni, track_embedding, name_embedding, tb, nb)

# --- scband reference (transcript-rebuilt; emitter-appended) ---
"""Pipeline reference for scband-recommender-net-79714593014546 (READ-ONLY COPY).

The authoritative reference and input builder live on the scoring server;
editing this copy changes nothing except your own understanding.
"""

import jax, jax.numpy as jnp
import numpy as np

NUM_TRACK = 100000
NUM_NAME = 100000
EMBED = 64
BATCH = 16384

def setup_inputs(seed: int = 0) -> dict:
    key = jax.random.key(seed)
    k1, k2, k3, k4, k5 = jax.random.split(key, 5)
    x = jax.random.randint(k1, (BATCH, 2), 0, NUM_TRACK, dtype=jnp.int64) if jax.config.jax_enable_x64 else jax.random.randint(k1, (BATCH, 2), 0, NUM_TRACK, dtype=jnp.int32)
    track_embedding = jax.random.normal(k2, (NUM_TRACK, EMBED), dtype=jnp.float32)
    name_embedding = jax.random.normal(k3, (NUM_NAME, EMBED), dtype=jnp.float32)
    track_bias = jax.random.normal(k4, (NUM_TRACK, 1), dtype=jnp.float32)
    name_bias = jax.random.normal(k5, (NUM_NAME, 1), dtype=jnp.float32)
    return {
        "x": x,
        "track_embedding": track_embedding,
        "name_embedding": name_embedding,
        "track_bias": track_bias,
        "name_bias": name_bias,
    }

def reference(x, track_embedding, name_embedding, track_bias, name_bias):
    track_idx = x[:, 0]
    name_idx = x[:, 1]
    track_vector = jnp.take(track_embedding, track_idx, axis=0)
    track_b = jnp.take(track_bias, track_idx, axis=0).squeeze(-1)
    name_vector = jnp.take(name_embedding, name_idx, axis=0)
    name_b = jnp.take(name_bias, name_idx, axis=0).squeeze(-1)
    dot_product = jnp.sum(track_vector * name_vector, axis=1)
    return jax.nn.sigmoid(dot_product + track_b + name_b)

if __name__ == "__main__":
    import jax
    _d = setup_inputs()
    print(jax.jit(kernel)(*tuple(_d.values())))

</pallas_src>

<mosaic_0001>
#map = affine_map<(d0, d1) -> (0)>
#map1 = affine_map<(d0, d1) -> (0, 0)>
module attributes {stable_mosaic.version = 14 : i64} {
  func.func @k(%arg0: i32, %arg1: i32, %arg2: memref<16384xi32, #tpu.memory_space<hbm>>, %arg3: memref<16384xi32, #tpu.memory_space<hbm>>, %arg4: memref<100000x64xf32, #tpu.memory_space<hbm>>, %arg5: memref<100000x64xf32, #tpu.memory_space<hbm>>, %arg6: memref<100000xf32, #tpu.memory_space<hbm>>, %arg7: memref<100000xf32, #tpu.memory_space<hbm>>, %arg8: memref<16384xf32, #tpu.memory_space<hbm>>, %arg9: memref<512xi32, #tpu.memory_space<vmem>>, %arg10: memref<512xi32, #tpu.memory_space<vmem>>, %arg11: memref<512x64xf32, #tpu.memory_space<vmem>>, %arg12: memref<512x64xf32, #tpu.memory_space<vmem>>, %arg13: memref<512xf32, #tpu.memory_space<vmem>>, %arg14: memref<512xf32, #tpu.memory_space<vmem>>, %arg15: memref<512xf32, #tpu.memory_space<vmem>>, %arg16: memref<!tpu.dma_semaphore, #tpu.memory_space<semaphore_mem>>, %arg17: memref<!tpu.dma_semaphore, #tpu.memory_space<semaphore_mem>>, %arg18: memref<!tpu.dma_semaphore, #tpu.memory_space<semaphore_mem>>, %arg19: memref<!tpu.dma_semaphore, #tpu.memory_space<semaphore_mem>>) attributes {dimension_semantics = [#tpu.dimension_semantics<core_parallel>, #tpu.dimension_semantics<subcore_parallel>], iteration_bounds = array<i64: 2, 16>, scalar_prefetch = 0 : i64, scratch_operands = 11 : i64, tpu.core_type = #tpu.core_type<sc_vector_subcore>, window_params = [{transform_indices = #map}, {transform_indices = #map}, {transform_indices = #map1}, {transform_indices = #map1}, {transform_indices = #map}, {transform_indices = #map}, {transform_indices = #map}]} {
    %mul3A = arith.constant 2 : i32
    %mul3A_0 = arith.muli %arg1, %mul3A : i32
    %add3A = arith.addi %mul3A_0, %arg0 : i32
    %mul3A_1 = arith.constant 512 : i32
    %mul3A_2 = arith.muli %add3A, %mul3A_1 : i32
    "tpu.region"() ({
      %run_scoped3A = tpu.sem_alloc : memref<!tpu.dma_semaphore, #tpu.memory_space<semaphore_mem>>
      %dma_start3A_26 = tpu.memref_slice %arg2[%mul3A_2] : memref<16384xi32, #tpu.memory_space<hbm>> -> memref<512xi32, #tpu.memory_space<hbm>>
      %dma_start3A_27 = tpu.memref_slice %arg2[%mul3A_2] : memref<16384xi32, #tpu.memory_space<hbm>> -> memref<512xi32, #tpu.memory_space<hbm>>
      tpu.enqueue_dma source(%dma_start3A_27 : memref<512xi32, #tpu.memory_space<hbm>>) target(%arg9 : memref<512xi32, #tpu.memory_space<vmem>>) target_semaphore(%run_scoped3A : memref<!tpu.dma_semaphore, #tpu.memory_space<semaphore_mem>>)
      %dma_wait3A_28 = tpu.memref_slice %arg2[%mul3A_2] : memref<16384xi32, #tpu.memory_space<hbm>> -> memref<512xi32, #tpu.memory_space<hbm>>
      %dma_wait3A_29 = tpu.memref_slice %arg2[%mul3A_2] : memref<16384xi32, #tpu.memory_space<hbm>> -> memref<512xi32, #tpu.memory_space<hbm>>
      tpu.wait_dma2 semaphore(%run_scoped3A : memref<!tpu.dma_semaphore, #tpu.memory_space<semaphore_mem>>) src(%dma_wait3A_29 : memref<512xi32, #tpu.memory_space<hbm>>) dst(%arg9 : memref<512xi32, #tpu.memory_space<vmem>>)
      tpu.yield
    }) : () -> ()
    "tpu.region"() ({
      %run_scoped3A = tpu.sem_alloc : memref<!tpu.dma_semaphore, #tpu.memory_space<semaphore_mem>>
      %dma_start3A_26 = tpu.memref_slice %arg3[%mul3A_2] : memref<16384xi32, #tpu.memory_space<hbm>> -> memref<512xi32, #tpu.memory_space<hbm>>
      %dma_start3A_27 = tpu.memref_slice %arg3[%mul3A_2] : memref<16384xi32, #tpu.memory_space<hbm>> -> memref<512xi32, #tpu.memory_space<hbm>>
      tpu.enqueue_dma source(%dma_start3A_27 : memref<512xi32, #tpu.memory_space<hbm>>) target(%arg10 : memref<512xi32, #tpu.memory_space<vmem>>) target_semaphore(%run_scoped3A : memref<!tpu.dma_semaphore, #tpu.memory_space<semaphore_mem>>)
      %dma_wait3A_28 = tpu.memref_slice %arg3[%mul3A_2] : memref<16384xi32, #tpu.memory_space<hbm>> -> memref<512xi32, #tpu.memory_space<hbm>>
      %dma_wait3A_29 = tpu.memref_slice %arg3[%mul3A_2] : memref<16384xi32, #tpu.memory_space<hbm>> -> memref<512xi32, #tpu.memory_space<hbm>>
      tpu.wait_dma2 semaphore(%run_scoped3A : memref<!tpu.dma_semaphore, #tpu.memory_space<semaphore_mem>>) src(%dma_wait3A_29 : memref<512xi32, #tpu.memory_space<hbm>>) dst(%arg10 : memref<512xi32, #tpu.memory_space<vmem>>)
      tpu.yield
    }) : () -> ()
    %dma_start3A = arith.constant 0 : i32
    %dma_start3A_3 = arith.constant 0 : i32
    %dma_start3A_4 = tpu.memref_slice %arg4[%dma_start3A, %dma_start3A_3] : memref<100000x64xf32, #tpu.memory_space<hbm>> -> memref<100000x64xf32, #tpu.memory_space<hbm>>
    tpu.enqueue_indirect_dma source(%dma_start3A_4 : memref<100000x64xf32, #tpu.memory_space<hbm>>) target(%arg11 : memref<512x64xf32, #tpu.memory_space<vmem>>) offsets(%arg9 : memref<512xi32, #tpu.memory_space<vmem>>) semaphore(%arg16 : memref<!tpu.dma_semaphore, #tpu.memory_space<semaphore_mem>>)
    %dma_start3A_5 = arith.constant 0 : i32
    %dma_start3A_6 = arith.constant 0 : i32
    %dma_start3A_7 = tpu.memref_slice %arg5[%dma_start3A_5, %dma_start3A_6] : memref<100000x64xf32, #tpu.memory_space<hbm>> -> memref<100000x64xf32, #tpu.memory_space<hbm>>
    tpu.enqueue_indirect_dma source(%dma_start3A_7 : memref<100000x64xf32, #tpu.memory_space<hbm>>) target(%arg12 : memref<512x64xf32, #tpu.memory_space<vmem>>) offsets(%arg10 : memref<512xi32, #tpu.memory_space<vmem>>) semaphore(%arg17 : memref<!tpu.dma_semaphore, #tpu.memory_space<semaphore_mem>>)
    %dma_start3A_8 = arith.constant 0 : i32
    %dma_start3A_9 = tpu.memref_slice %arg6[%dma_start3A_8] : memref<100000xf32, #tpu.memory_space<hbm>> -> memref<100000xf32, #tpu.memory_space<hbm>>
    tpu.enqueue_indirect_dma source(%dma_start3A_9 : memref<100000xf32, #tpu.memory_space<hbm>>) target(%arg13 : memref<512xf32, #tpu.memory_space<vmem>>) offsets(%arg9 : memref<512xi32, #tpu.memory_space<vmem>>) semaphore(%arg18 : memref<!tpu.dma_semaphore, #tpu.memory_space<semaphore_mem>>)
    %dma_start3A_10 = arith.constant 0 : i32
    %dma_start3A_11 = tpu.memref_slice %arg7[%dma_start3A_10] : memref<100000xf32, #tpu.memory_space<hbm>> -> memref<100000xf32, #tpu.memory_space<hbm>>
    tpu.enqueue_indirect_dma source(%dma_start3A_11 : memref<100000xf32, #tpu.memory_space<hbm>>) target(%arg14 : memref<512xf32, #tpu.memory_space<vmem>>) offsets(%arg10 : memref<512xi32, #tpu.memory_space<vmem>>) semaphore(%arg19 : memref<!tpu.dma_semaphore, #tpu.memory_space<semaphore_mem>>)
    %dma_wait3A = arith.constant 0 : i32
    %dma_wait3A_12 = arith.constant 0 : i32
    %dma_wait3A_13 = tpu.memref_slice %arg4[%dma_wait3A, %dma_wait3A_12] : memref<100000x64xf32, #tpu.memory_space<hbm>> -> memref<100000x64xf32, #tpu.memory_space<hbm>>
    tpu.wait_indirect_dma semaphore(%arg16 : memref<!tpu.dma_semaphore, #tpu.memory_space<semaphore_mem>>) src(%dma_wait3A_13 : memref<100000x64xf32, #tpu.memory_space<hbm>>) dst(%arg11 : memref<512x64xf32, #tpu.memory_space<vmem>>)
    %dma_wait3A_14 = arith.constant 0 : i32
    %dma_wait3A_15 = arith.constant 0 : i32
    %dma_wait3A_16 = tpu.memref_slice %arg5[%dma_wait3A_14, %dma_wait3A_15] : memref<100000x64xf32, #tpu.memory_space<hbm>> -> memref<100000x64xf32, #tpu.memory_space<hbm>>
    tpu.wait_indirect_dma semaphore(%arg17 : memref<!tpu.dma_semaphore, #tpu.memory_space<semaphore_mem>>) src(%dma_wait3A_16 : memref<100000x64xf32, #tpu.memory_space<hbm>>) dst(%arg12 : memref<512x64xf32, #tpu.memory_space<vmem>>)
    %dma_wait3A_17 = arith.constant 0 : i32
    %dma_wait3A_18 = tpu.memref_slice %arg6[%dma_wait3A_17] : memref<100000xf32, #tpu.memory_space<hbm>> -> memref<100000xf32, #tpu.memory_space<hbm>>
    tpu.wait_indirect_dma semaphore(%arg18 : memref<!tpu.dma_semaphore, #tpu.memory_space<semaphore_mem>>) src(%dma_wait3A_18 : memref<100000xf32, #tpu.memory_space<hbm>>) dst(%arg13 : memref<512xf32, #tpu.memory_space<vmem>>)
    %dma_wait3A_19 = arith.constant 0 : i32
    %dma_wait3A_20 = tpu.memref_slice %arg7[%dma_wait3A_19] : memref<100000xf32, #tpu.memory_space<hbm>> -> memref<100000xf32, #tpu.memory_space<hbm>>
    tpu.wait_indirect_dma semaphore(%arg19 : memref<!tpu.dma_semaphore, #tpu.memory_space<semaphore_mem>>) src(%dma_wait3A_20 : memref<100000xf32, #tpu.memory_space<hbm>>) dst(%arg14 : memref<512xf32, #tpu.memory_space<vmem>>)
    %iota3A = tpu.iota {dimensions = array<i32: 0>} : vector<16xi32>
    %scan3A = arith.constant 0 : i32
    %scan3A_21 = arith.constant 0 : i32
    %scan3A_22 = arith.constant 32 : i32
    %scan3A_23 = arith.addi %scan3A_21, %scan3A_22 : i32
    %scan3A_24 = arith.constant 1 : i32
    scf.for %scan3A_26 = %scan3A_21 to %scan3A_23 step %scan3A_24  : i32 {
      %mul3A_27 = arith.constant 16 : i32
      %mul3A_28 = arith.muli %scan3A_26, %mul3A_27 : i32
      %broadcast_in_dim3A = arith.constant 0.000000e+00 : f32
      %broadcast_in_dim3A_29 = vector.broadcast %broadcast_in_dim3A : f32 to vector<16xf32>
      %add3A_30 = arith.constant 0 : i32
      %add3A_31 = arith.addi %mul3A_28, %add3A_30 : i32
      %get3A = arith.index_cast %add3A_31 : i32 to index
      %get3A_32 = arith.constant 0 : index
      %get3A_33 = tpu.vector_load %arg11[%get3A, %get3A_32] {strides = array<i32>} : memref<512x64xf32, #tpu.memory_space<vmem>>, vector<1x16xf32>,
      %get3A_34 = vector.shape_cast %get3A_33 : vector<1x16xf32> to vector<16xf32>
      %get3A_35 = arith.index_cast %add3A_31 : i32 to index
      %get3A_36 = arith.constant 0 : index
      %get3A_37 = tpu.vector_load %arg12[%get3A_35, %get3A_36] {strides = array<i32>} : memref<512x64xf32, #tpu.memory_space<vmem>>, vector<1x16xf32>,
      %get3A_38 = vector.shape_cast %get3A_37 : vector<1x16xf32> to vector<16xf32>
      %mul3A_39 = arith.mulf %get3A_34, %get3A_38 : vector<16xf32>
      %get3A_40 = arith.index_cast %add3A_31 : i32 to index
      %get3A_41 = arith.constant 16 : index
      %get3A_42 = tpu.vector_load %arg11[%get3A_40, %get3A_41] {strides = array<i32>} : memref<512x64xf32, #tpu.memory_space<vmem>>, vector<1x16xf32>,
      %get3A_43 = vector.shape_cast %get3A_42 : vector<1x16xf32> to vector<16xf32>
      %get3A_44 = arith.index_cast %add3A_31 : i32 to index
      %get3A_45 = arith.constant 16 : index
      %get3A_46 = tpu.vector_load %arg12[%get3A_44, %get3A_45] {strides = array<i32>} : memref<512x64xf32, #tpu.memory_space<vmem>>, vector<1x16xf32>,
      %get3A_47 = vector.shape_cast %get3A_46 : vector<1x16xf32> to vector<16xf32>
      %mul3A_48 = arith.mulf %get3A_43, %get3A_47 : vector<16xf32>
      %add3A_49 = arith.addf %mul3A_39, %mul3A_48 : vector<16xf32>
      %get3A_50 = arith.index_cast %add3A_31 : i32 to index
      %get3A_51 = arith.constant 32 : index
      %get3A_52 = tpu.vector_load %arg11[%get3A_50, %get3A_51] {strides = array<i32>} : memref<512x64xf32, #tpu.memory_space<vmem>>, vector<1x16xf32>,
      %get3A_53 = vector.shape_cast %get3A_52 : vector<1x16xf32> to vector<16xf32>
      %get3A_54 = arith.index_cast %add3A_31 : i32 to index
      %get3A_55 = arith.constant 32 : index
      %get3A_56 = tpu.vector_load %arg12[%get3A_54, %get3A_55] {strides = array<i32>} : memref<512x64xf32, #tpu.memory_space<vmem>>, vector<1x16xf32>,
      %get3A_57 = vector.shape_cast %get3A_56 : vector<1x16xf32> to vector<16xf32>
      %mul3A_58 = arith.mulf %get3A_53, %get3A_57 : vector<16xf32>
      %add3A_59 = arith.addf %add3A_49, %mul3A_58 : vector<16xf32>
      %get3A_60 = arith.index_cast %add3A_31 : i32 to index
      %get3A_61 = arith.constant 48 : index
      %get3A_62 = tpu.vector_load %arg11[%get3A_60, %get3A_61] {strides = array<i32>} : memref<512x64xf32, #tpu.memory_space<vmem>>, vector<1x16xf32>,
      %get3A_63 = vector.shape_cast %get3A_62 : vector<1x16xf32> to vector<16xf32>
      %get3A_64 = arith.index_cast %add3A_31 : i32 to index
      %get3A_65 = arith.constant 48 : index
      %get3A_66 = tpu.vector_load %arg12[%get3A_64, %get3A_65] {strides = array<i32>} : memref<512x64xf32, #tpu.memory_space<vmem>>, vector<1x16xf32>,
      %get3A_67 = vector.shape_cast %get3A_66 : vector<1x16xf32> to vector<16xf32>
      %mul3A_68 = arith.mulf %get3A_63, %get3A_67 : vector<16xf32>
      %add3A_69 = arith.addf %add3A_59, %mul3A_68 : vector<16xf32>
      %eq3A = arith.constant 0 : i32
      %eq3A_70 = vector.broadcast %eq3A : i32 to vector<16xi32>
      %eq3A_71 = arith.cmpi eq, %iota3A, %eq3A_70 : vector<16xi32>
      %xor3A = arith.constant 8 : i32
      %xor3A_72 = vector.broadcast %xor3A : i32 to vector<16xi32>
      %xor3A_73 = arith.xori %iota3A, %xor3A_72 : vector<16xi32>
      %broadcast_in_dim3A_74 = vector.shape_cast %xor3A_73 : vector<16xi32> to vector<16x1xi32>
      %gather3A = vector.shape_cast %broadcast_in_dim3A_74 : vector<16x1xi32> to vector<16xi32>
      %gather3A_75 = tpu.dynamic_gather %add3A_69[%gather3A] in [0] : vector<16xf32>, vector<16xi32> -> vector<16xf32>
      %add3A_76 = arith.addf %add3A_69, %gather3A_75 : vector<16xf32>
      %xor3A_77 = arith.constant 4 : i32
      %xor3A_78 = vector.broadcast %xor3A_77 : i32 to vector<16xi32>
      %xor3A_79 = arith.xori %iota3A, %xor3A_78 : vector<16xi32>
      %broadcast_in_dim3A_80 = vector.shape_cast %xor3A_79 : vector<16xi32> to vector<16x1xi32>
      %gather3A_81 = vector.shape_cast %broadcast_in_dim3A_80 : vector<16x1xi32> to vector<16xi32>
      %gather3A_82 = tpu.dynamic_gather %add3A_76[%gather3A_81] in [0] : vector<16xf32>, vector<16xi32> -> vector<16xf32>
      %add3A_83 = arith.addf %add3A_76, %gather3A_82 : vector<16xf32>
      %xor3A_84 = arith.constant 2 : i32
      %xor3A_85 = vector.broadcast %xor3A_84 : i32 to vector<16xi32>
      %xor3A_86 = arith.xori %iota3A, %xor3A_85 : vector<16xi32>
      %broadcast_in_dim3A_87 = vector.shape_cast %xor3A_86 : vector<16xi32> to vector<16x1xi32>
      %gather3A_88 = vector.shape_cast %broadcast_in_dim3A_87 : vector<16x1xi32> to vector<16xi32>
      %gather3A_89 = tpu.dynamic_gather %add3A_83[%gather3A_88] in [0] : vector<16xf32>, vector<16xi32> -> vector<16xf32>
      %add3A_90 = arith.addf %add3A_83, %gather3A_89 : vector<16xf32>
      %xor3A_91 = arith.constant 1 : i32
      %xor3A_92 = vector.broadcast %xor3A_91 : i32 to vector<16xi32>
      %xor3A_93 = arith.xori %iota3A, %xor3A_92 : vector<16xi32>
      %broadcast_in_dim3A_94 = vector.shape_cast %xor3A_93 : vector<16xi32> to vector<16x1xi32>
      %gather3A_95 = vector.shape_cast %broadcast_in_dim3A_94 : vector<16x1xi32> to vector<16xi32>
      %gather3A_96 = tpu.dynamic_gather %add3A_90[%gather3A_95] in [0] : vector<16xf32>, vector<16xi32> -> vector<16xf32>
      %add3A_97 = arith.addf %add3A_90, %gather3A_96 : vector<16xf32>
      %select_n3A = arith.select %eq3A_71, %add3A_97, %broadcast_in_dim3A_29 : vector<16xi1>, vector<16xf32>
      %add3A_98 = arith.constant 1 : i32
      %add3A_99 = arith.addi %mul3A_28, %add3A_98 : i32
      %get3A_100 = arith.index_cast %add3A_99 : i32 to index
      %get3A_101 = arith.constant 0 : index
      %get3A_102 = tpu.vector_load %arg11[%get3A_100, %get3A_101] {strides = array<i32>} : memref<512x64xf32, #tpu.memory_space<vmem>>, vector<1x16xf32>,
      %get3A_103 = vector.shape_cast %get3A_102 : vector<1x16xf32> to vector<16xf32>
      %get3A_104 = arith.index_cast %add3A_99 : i32 to index
      %get3A_105 = arith.constant 0 : index
      %get3A_106 = tpu.vector_load %arg12[%get3A_104, %get3A_105] {strides = array<i32>} : memref<512x64xf32, #tpu.memory_space<vmem>>, vector<1x16xf32>,
      %get3A_107 = vector.shape_cast %get3A_106 : vector<1x16xf32> to vector<16xf32>
      %mul3A_108 = arith.mulf %get3A_103, %get3A_107 : vector<16xf32>
      %get3A_109 = arith.index_cast %add3A_99 : i32 to index
      %get3A_110 = arith.constant 16 : index
      %get3A_111 = tpu.vector_load %arg11[%get3A_109, %get3A_110] {strides = array<i32>} : memref<512x64xf32, #tpu.memory_space<vmem>>, vector<1x16xf32>,
      %get3A_112 = vector.shape_cast %get3A_111 : vector<1x16xf32> to vector<16xf32>
      %get3A_113 = arith.index_cast %add3A_99 : i32 to index
      %get3A_114 = arith.constant 16 : index
      %get3A_115 = tpu.vector_load %arg12[%get3A_113, %get3A_114] {strides = array<i32>} : memref<512x64xf32, #tpu.memory_space<vmem>>, vector<1x16xf32>,
      %get3A_116 = vector.shape_cast %get3A_115 : vector<1x16xf32> to vector<16xf32>
      %mul3A_117 = arith.mulf %get3A_112, %get3A_116 : vector<16xf32>
      %add3A_118 = arith.addf %mul3A_108, %mul3A_117 : vector<16xf32>
      %get3A_119 = arith.index_cast %add3A_99 : i32 to index
      %get3A_120 = arith.constant 32 : index
      %get3A_121 = tpu.vector_load %arg11[%get3A_119, %get3A_120] {strides = array<i32>} : memref<512x64xf32, #tpu.memory_space<vmem>>, vector<1x16xf32>,
      %get3A_122 = vector.shape_cast %get3A_121 : vector<1x16xf32> to vector<16xf32>
      %get3A_123 = arith.index_cast %add3A_99 : i32 to index
      %get3A_124 = arith.constant 32 : index
      %get3A_125 = tpu.vector_load %arg12[%get3A_123, %get3A_124] {strides = array<i32>} : memref<512x64xf32, #tpu.memory_space<vmem>>, vector<1x16xf32>,
      %get3A_126 = vector.shape_cast %get3A_125 : vector<1x16xf32> to vector<16xf32>
      %mul3A_127 = arith.mulf %get3A_122, %get3A_126 : vector<16xf32>
      %add3A_128 = arith.addf %add3A_118, %mul3A_127 : vector<16xf32>
      %get3A_129 = arith.index_cast %add3A_99 : i32 to index
      %get3A_130 = arith.constant 48 : index
      %get3A_131 = tpu.vector_load %arg11[%get3A_129, %get3A_130] {strides = array<i32>} : memref<512x64xf32, #tpu.memory_space<vmem>>, vector<1x16xf32>,
      %get3A_132 = vector.shape_cast %get3A_131 : vector<1x16xf32> to vector<16xf32>
      %get3A_133 = arith.index_cast %add3A_99 : i32 to index
      %get3A_134 = arith.constant 48 : index
      %get3A_135 = tpu.vector_load %arg12[%get3A_133, %get3A_134] {strides = array<i32>} : memref<512x64xf32, #tpu.memory_space<vmem>>, vector<1x16xf32>,
      %get3A_136 = vector.shape_cast %get3A_135 : vector<1x16xf32> to vector<16xf32>
      %mul3A_137 = arith.mulf %get3A_132, %get3A_136 : vector<16xf32>
      %add3A_138 = arith.addf %add3A_128, %mul3A_137 : vector<16xf32>
      %eq3A_139 = arith.constant 1 : i32
      %eq3A_140 = vector.broadcast %eq3A_139 : i32 to vector<16xi32>
      %eq3A_141 = arith.cmpi eq, %iota3A, %eq3A_140 : vector<16xi32>
      %xor3A_142 = arith.constant 8 : i32
      %xor3A_143 = vector.broadcast %xor3A_142 : i32 to vector<16xi32>
      %xor3A_144 = arith.xori %iota3A, %xor3A_143 : vector<16xi32>
      %broadcast_in_dim3A_145 = vector.shape_cast %xor3A_144 : vector<16xi32> to vector<16x1xi32>
      %gather3A_146 = vector.shape_cast %broadcast_in_dim3A_145 : vector<16x1xi32> to vector<16xi32>
      %gather3A_147 = tpu.dynamic_gather %add3A_138[%gather3A_146] in [0] : vector<16xf32>, vector<16xi32> -> vector<16xf32>
      %add3A_148 = arith.addf %add3A_138, %gather3A_147 : vector<16xf32>
      %xor3A_149 = arith.constant 4 : i32
      %xor3A_150 = vector.broadcast %xor3A_149 : i32 to vector<16xi32>
      %xor3A_151 = arith.xori %iota3A, %xor3A_150 : vector<16xi32>
      %broadcast_in_dim3A_152 = vector.shape_cast %xor3A_151 : vector<16xi32> to vector<16x1xi32>
      %gather3A_153 = vector.shape_cast %broadcast_in_dim3A_152 : vector<16x1xi32> to vector<16xi32>
      %gather3A_154 = tpu.dynamic_gather %add3A_148[%gather3A_153] in [0] : vector<16xf32>, vector<16xi32> -> vector<16xf32>
      %add3A_155 = arith.addf %add3A_148, %gather3A_154 : vector<16xf32>
      %xor3A_156 = arith.constant 2 : i32
      %xor3A_157 = vector.broadcast %xor3A_156 : i32 to vector<16xi32>
      %xor3A_158 = arith.xori %iota3A, %xor3A_157 : vector<16xi32>
      %broadcast_in_dim3A_159 = vector.shape_cast %xor3A_158 : vector<16xi32> to vector<16x1xi32>
      %gather3A_160 = vector.shape_cast %broadcast_in_dim3A_159 : vector<16x1xi32> to vector<16xi32>
      %gather3A_161 = tpu.dynamic_gather %add3A_155[%gather3A_160] in [0] : vector<16xf32>, vector<16xi32> -> vector<16xf32>
      %add3A_162 = arith.addf %add3A_155, %gather3A_161 : vector<16xf32>
      %xor3A_163 = arith.constant 1 : i32
      %xor3A_164 = vector.broadcast %xor3A_163 : i32 to vector<16xi32>
      %xor3A_165 = arith.xori %iota3A, %xor3A_164 : vector<16xi32>
      %broadcast_in_dim3A_166 = vector.shape_cast %xor3A_165 : vector<16xi32> to vector<16x1xi32>
      %gather3A_167 = vector.shape_cast %broadcast_in_dim3A_166 : vector<16x1xi32> to vector<16xi32>
      %gather3A_168 = tpu.dynamic_gather %add3A_162[%gather3A_167] in [0] : vector<16xf32>, vector<16xi32> -> vector<16xf32>
      %add3A_169 = arith.addf %add3A_162, %gather3A_168 : vector<16xf32>
      %select_n3A_170 = arith.select %eq3A_141, %add3A_169, %select_n3A : vector<16xi1>, vector<16xf32>
      %add3A_171 = arith.constant 2 : i32
      %add3A_172 = arith.addi %mul3A_28, %add3A_171 : i32
      %get3A_173 = arith.index_cast %add3A_172 : i32 to index
      %get3A_174 = arith.constant 0 : index
      %get3A_175 = tpu.vector_load %arg11[%get3A_173, %get3A_174] {strides = array<i32>} : memref<512x64xf32, #tpu.memory_space<vmem>>, vector<1x16xf32>,
      %get3A_176 = vector.shape_cast %get3A_175 : vector<1x16xf32> to vector<16xf32>
      %get3A_177 = arith.index_cast %add3A_172 : i32 to index
      %get3A_178 = arith.constant 0 : index
      %get3A_179 = tpu.vector_load %arg12[%get3A_177, %get3A_178] {strides = array<i32>} : memref<512x64xf32, #tpu.memory_space<vmem>>, vector<1x16xf32>,
      %get3A_180 = vector.shape_cast %get3A_179 : vector<1x16xf32> to vector<16xf32>
      %mul3A_181 = arith.mulf %get3A_176, %get3A_180 : vector<16xf32>
      %get3A_182 = arith.index_cast %add3A_172 : i32 to index
      %get3A_183 = arith.constant 16 : index
      %get3A_184 = tpu.vector_load %arg11[%get3A_182, %get3A_183] {strides = array<i32>} : memref<512x64xf32, #tpu.memory_space<vmem>>, vector<1x16xf32>,
      %get3A_185 = vector.shape_cast %get3A_184 : vector<1x16xf32> to vector<16xf32>
      %get3A_186 = arith.index_cast %add3A_172 : i32 to index
      %get3A_187 = arith.constant 16 : index
      %get3A_188 = tpu.vector_load %arg12[%get3A_186, %get3A_187] {strides = array<i32>} : memref<512x64xf32, #tpu.memory_space<vmem>>, vector<1x16xf32>,
      %get3A_189 = vector.shape_cast %get3A_188 : vector<1x16xf32> to vector<16xf32>
      %mul3A_190 = arith.mulf %get3A_185, %get3A_189 : vector<16xf32>
      %add3A_191 = arith.addf %mul3A_181, %mul3A_190 : vector<16xf32>
      %get3A_192 = arith.index_cast %add3A_172 : i32 to index
      %get3A_193 = arith.constant 32 : index
      %get3A_194 = tpu.vector_load %arg11[%get3A_192, %get3A_193] {strides = array<i32>} : memref<512x64xf32, #tpu.memory_space<vmem>>, vector<1x16xf32>,
      %get3A_195 = vector.shape_cast %get3A_194 : vector<1x16xf32> to vector<16xf32>
      %get3A_196 = arith.index_cast %add3A_172 : i32 to index
      %get3A_197 = arith.constant 32 : index
      %get3A_198 = tpu.vector_load %arg12[%get3A_196, %get3A_197] {strides = array<i32>} : memref<512x64xf32, #tpu.memory_space<vmem>>, vector<1x16xf32>,
      %get3A_199 = vector.shape_cast %get3A_198 : vector<1x16xf32> to vector<16xf32>
      %mul3A_200 = arith.mulf %get3A_195, %get3A_199 : vector<16xf32>
      %add3A_201 = arith.addf %add3A_191, %mul3A_200 : vector<16xf32>
      %get3A_202 = arith.index_cast %add3A_172 : i32 to index
      %get3A_203 = arith.constant 48 : index
      %get3A_204 = tpu.vector_load %arg11[%get3A_202, %get3A_203] {strides = array<i32>} : memref<512x64xf32, #tpu.memory_space<vmem>>, vector<1x16xf32>,
      %get3A_205 = vector.shape_cast %get3A_204 : vector<1x16xf32> to vector<16xf32>
      %get3A_206 = arith.index_cast %add3A_172 : i32 to index
      %get3A_207 = arith.constant 48 : index
      %get3A_208 = tpu.vector_load %arg12[%get3A_206, %get3A_207] {strides = array<i32>} : memref<512x64xf32, #tpu.memory_space<vmem>>, vector<1x16xf32>,
      %get3A_209 = vector.shape_cast %get3A_208 : vector<1x16xf32> to vector<16xf32>
      %mul3A_210 = arith.mulf %get3A_205, %get3A_209 : vector<16xf32>
      %add3A_211 = arith.addf %add3A_201, %mul3A_210 : vector<16xf32>
      %eq3A_212 = arith.constant 2 : i32
      %eq3A_213 = vector.broadcast %eq3A_212 : i32 to vector<16xi32>
      %eq3A_214 = arith.cmpi eq, %iota3A, %eq3A_213 : vector<16xi32>
      %xor3A_215 = arith.constant 8 : i32
      %xor3A_216 = vector.broadcast %xor3A_215 : i32 to vector<16xi32>
      %xor3A_217 = arith.xori %iota3A, %xor3A_216 : vector<16xi32>
      %broadcast_in_dim3A_218 = vector.shape_cast %xor3A_217 : vector<16xi32> to vector<16x1xi32>
      %gather3A_219 = vector.shape_cast %broadcast_in_dim3A_218 : vector<16x1xi32> to vector<16xi32>
      %gather3A_220 = tpu.dynamic_gather %add3A_211[%gather3A_219] in [0] : vector<16xf32>, vector<16xi32> -> vector<16xf32>
      %add3A_221 = arith.addf %add3A_211, %gather3A_220 : vector<16xf32>
      %xor3A_222 = arith.constant 4 : i32
      %xor3A_223 = vector.broadcast %xor3A_222 : i32 to vector<16xi32>
      %xor3A_224 = arith.xori %iota3A, %xor3A_223 : vector<16xi32>
      %broadcast_in_dim3A_225 = vector.shape_cast %xor3A_224 : vector<16xi32> to vector<16x1xi32>
      %gather3A_226 = vector.shape_cast %broadcast_in_dim3A_225 : vector<16x1xi32> to vector<16xi32>
      %gather3A_227 = tpu.dynamic_gather %add3A_221[%gather3A_226] in [0] : vector<16xf32>, vector<16xi32> -> vector<16xf32>
      %add3A_228 = arith.addf %add3A_221, %gather3A_227 : vector<16xf32>
      %xor3A_229 = arith.constant 2 : i32
      %xor3A_230 = vector.broadcast %xor3A_229 : i32 to vector<16xi32>
      %xor3A_231 = arith.xori %iota3A, %xor3A_230 : vector<16xi32>
      %broadcast_in_dim3A_232 = vector.shape_cast %xor3A_231 : vector<16xi32> to vector<16x1xi32>
      %gather3A_233 = vector.shape_cast %broadcast_in_dim3A_232 : vector<16x1xi32> to vector<16xi32>
      %gather3A_234 = tpu.dynamic_gather %add3A_228[%gather3A_233] in [0] : vector<16xf32>, vector<16xi32> -> vector<16xf32>
      %add3A_235 = arith.addf %add3A_228, %gather3A_234 : vector<16xf32>
      %xor3A_236 = arith.constant 1 : i32
      %xor3A_237 = vector.broadcast %xor3A_236 : i32 to vector<16xi32>
      %xor3A_238 = arith.xori %iota3A, %xor3A_237 : vector<16xi32>
      %broadcast_in_dim3A_239 = vector.shape_cast %xor3A_238 : vector<16xi32> to vector<16x1xi32>
      %gather3A_240 = vector.shape_cast %broadcast_in_dim3A_239 : vector<16x1xi32> to vector<16xi32>
      %gather3A_241 = tpu.dynamic_gather %add3A_235[%gather3A_240] in [0] : vector<16xf32>, vector<16xi32> -> vector<16xf32>
      %add3A_242 = arith.addf %add3A_235, %gather3A_241 : vector<16xf32>
      %select_n3A_243 = arith.select %eq3A_214, %add3A_242, %select_n3A_170 : vector<16xi1>, vector<16xf32>
      %add3A_244 = arith.constant 3 : i32
      %add3A_245 = arith.addi %mul3A_28, %add3A_244 : i32
      %get3A_246 = arith.index_cast %add3A_245 : i32 to index
      %get3A_247 = arith.constant 0 : index
      %get3A_248 = tpu.vector_load %arg11[%get3A_246, %get3A_247] {strides = array<i32>} : memref<512x64xf32, #tpu.memory_space<vmem>>, vector<1x16xf32>,
      %get3A_249 = vector.shape_cast %get3A_248 : vector<1x16xf32> to vector<16xf32>
      %get3A_250 = arith.index_cast %add3A_245 : i32 to index
      %get3A_251 = arith.constant 0 : index
      %get3A_252 = tpu.vector_load %arg12[%get3A_250, %get3A_251] {strides = array<i32>} : memref<512x64xf32, #tpu.memory_space<vmem>>, vector<1x16xf32>,
      %get3A_253 = vector.shape_cast %get3A_252 : vector<1x16xf32> to vector<16xf32>
      %mul3A_254 = arith.mulf %get3A_249, %get3A_253 : vector<16xf32>
      %get3A_255 = arith.index_cast %add3A_245 : i32 to index
      %get3A_256 = arith.constant 16 : index
      %get3A_257 = tpu.vector_load %arg11[%get3A_255, %get3A_256] {strides = array<i32>} : memref<512x64xf32, #tpu.memory_space<vmem>>, vector<1x16xf32>,
      %get3A_258 = vector.shape_cast %get3A_257 : vector<1x16xf32> to vector<16xf32>
      %get3A_259 = arith.index_cast %add3A_245 : i32 to index
      %get3A_260 = arith.constant 16 : index
      %get3A_261 = tpu.vector_load %arg12[%get3A_259, %get3A_260] {strides = array<i32>} : memref<512x64xf32, #tpu.memory_space<vmem>>, vector<1x16xf32>,
      %get3A_262 = vector.shape_cast %get3A_261 : vector<1x16xf32> to vector<16xf32>
      %mul3A_263 = arith.mulf %get3A_258, %get3A_262 : vector<16xf32>
      %add3A_264 = arith.addf %mul3A_254, %mul3A_263 : vector<16xf32>
      %get3A_265 = arith.index_cast %add3A_245 : i32 to index
      %get3A_266 = arith.constant 32 : index
      %get3A_267 = tpu.vector_load %arg11[%get3A_265, %get3A_266] {strides = array<i32>} : memref<512x64xf32, #tpu.memory_space<vmem>>, vector<1x16xf32>,
      %get3A_268 = vector.shape_cast %get3A_267 : vector<1x16xf32> to vector<16xf32>
      %get3A_269 = arith.index_cast %add3A_245 : i32 to index
      %get3A_270 = arith.constant 32 : index
      %get3A_271 = tpu.vector_load %arg12[%get3A_269, %get3A_270] {strides = array<i32>} : memref<512x64xf32, #tpu.memory_space<vmem>>, vector<1x16xf32>,
      %get3A_272 = vector.shape_cast %get3A_271 : vector<1x16xf32> to vector<16xf32>
      %mul3A_273 = arith.mulf %get3A_268, %get3A_272 : vector<16xf32>
      %add3A_274 = arith.addf %add3A_264, %mul3A_273 : vector<16xf32>
      %get3A_275 = arith.index_cast %add3A_245 : i32 to index
      %get3A_276 = arith.constant 48 : index
      %get3A_277 = tpu.vector_load %arg11[%get3A_275, %get3A_276] {strides = array<i32>} : memref<512x64xf32, #tpu.memory_space<vmem>>, vector<1x16xf32>,
      %get3A_278 = vector.shape_cast %get3A_277 : vector<1x16xf32> to vector<16xf32>
      %get3A_279 = arith.index_cast %add3A_245 : i32 to index
      %get3A_280 = arith.constant 48 : index
      %get3A_281 = tpu.vector_load %arg12[%get3A_279, %get3A_280] {strides = array<i32>} : memref<512x64xf32, #tpu.memory_space<vmem>>, vector<1x16xf32>,
      %get3A_282 = vector.shape_cast %get3A_281 : vector<1x16xf32> to vector<16xf32>
      %mul3A_283 = arith.mulf %get3A_278, %get3A_282 : vector<16xf32>
      %add3A_284 = arith.addf %add3A_274, %mul3A_283 : vector<16xf32>
      %eq3A_285 = arith.constant 3 : i32
      %eq3A_286 = vector.broadcast %eq3A_285 : i32 to vector<16xi32>
      %eq3A_287 = arith.cmpi eq, %iota3A, %eq3A_286 : vector<16xi32>
      %xor3A_288 = arith.constant 8 : i32
      %xor3A_289 = vector.broadcast %xor3A_288 : i32 to vector<16xi32>
      %xor3A_290 = arith.xori %iota3A, %xor3A_289 : vector<16xi32>
      %broadcast_in_dim3A_291 = vector.shape_cast %xor3A_290 : vector<16xi32> to vector<16x1xi32>
      %gather3A_292 = vector.shape_cast %broadcast_in_dim3A_291 : vector<16x1xi32> to vector<16xi32>
      %gather3A_293 = tpu.dynamic_gather %add3A_284[%gather3A_292] in [0] : vector<16xf32>, vector<16xi32> -> vector<16xf32>
      %add3A_294 = arith.addf %add3A_284, %gather3A_293 : vector<16xf32>
      %xor3A_295 = arith.constant 4 : i32
      %xor3A_296 = vector.broadcast %xor3A_295 : i32 to vector<16xi32>
      %xor3A_297 = arith.xori %iota3A, %xor3A_296 : vector<16xi32>
      %broadcast_in_dim3A_298 = vector.shape_cast %xor3A_297 : vector<16xi32> to vector<16x1xi32>
      %gather3A_299 = vector.shape_cast %broadcast_in_dim3A_298 : vector<16x1xi32> to vector<16xi32>
      %gather3A_300 = tpu.dynamic_gather %add3A_294[%gather3A_299] in [0] : vector<16xf32>, vector<16xi32> -> vector<16xf32>
      %add3A_301 = arith.addf %add3A_294, %gather3A_300 : vector<16xf32>
      %xor3A_302 = arith.constant 2 : i32
      %xor3A_303 = vector.broadcast %xor3A_302 : i32 to vector<16xi32>
      %xor3A_304 = arith.xori %iota3A, %xor3A_303 : vector<16xi32>
      %broadcast_in_dim3A_305 = vector.shape_cast %xor3A_304 : vector<16xi32> to vector<16x1xi32>
      %gather3A_306 = vector.shape_cast %broadcast_in_dim3A_305 : vector<16x1xi32> to vector<16xi32>
      %gather3A_307 = tpu.dynamic_gather %add3A_301[%gather3A_306] in [0] : vector<16xf32>, vector<16xi32> -> vector<16xf32>
      %add3A_308 = arith.addf %add3A_301, %gather3A_307 : vector<16xf32>
      %xor3A_309 = arith.constant 1 : i32
      %xor3A_310 = vector.broadcast %xor3A_309 : i32 to vector<16xi32>
      %xor3A_311 = arith.xori %iota3A, %xor3A_310 : vector<16xi32>
      %broadcast_in_dim3A_312 = vector.shape_cast %xor3A_311 : vector<16xi32> to vector<16x1xi32>
      %gather3A_313 = vector.shape_cast %broadcast_in_dim3A_312 : vector<16x1xi32> to vector<16xi32>
      %gather3A_314 = tpu.dynamic_gather %add3A_308[%gather3A_313] in [0] : vector<16xf32>, vector<16xi32> -> vector<16xf32>
      %add3A_315 = arith.addf %add3A_308, %gather3A_314 : vector<16xf32>
      %select_n3A_316 = arith.select %eq3A_287, %add3A_315, %select_n3A_243 : vector<16xi1>, vector<16xf32>
      %add3A_317 = arith.constant 4 : i32
      %add3A_318 = arith.addi %mul3A_28, %add3A_317 : i32
      %get3A_319 = arith.index_cast %add3A_318 : i32 to index
      %get3A_320 = arith.constant 0 : index
      %get3A_321 = tpu.vector_load %arg11[%get3A_319, %get3A_320] {strides = array<i32>} : memref<512x64xf32, #tpu.memory_space<vmem>>, vector<1x16xf32>,
      %get3A_322 = vector.shape_cast %get3A_321 : vector<1x16xf32> to vector<16xf32>
      %get3A_323 = arith.index_cast %add3A_318 : i32 to index
      %get3A_324 = arith.constant 0 : index
      %get3A_325 = tpu.vector_load %arg12[%get3A_323, %get3A_324] {strides = array<i32>} : memref<512x64xf32, #tpu.memory_space<vmem>>, vector<1x16xf32>,
      %get3A_326 = vector.shape_cast %get3A_325 : vector<1x16xf32> to vector<16xf32>
      %mul3A_327 = arith.mulf %get3A_322, %get3A_326 : vector<16xf32>
      %get3A_328 = arith.index_cast %add3A_318 : i32 to index
      %get3A_329 = arith.constant 16 : index
      %get3A_330 = tpu.vector_load %arg11[%get3A_328, %get3A_329] {strides = array<i32>} : memref<512x64xf32, #tpu.memory_space<vmem>>, vector<1x16xf32>,
      %get3A_331 = vector.shape_cast %get3A_330 : vector<1x16xf32> to vector<16xf32>
      %get3A_332 = arith.index_cast %add3A_318 : i32 to index
      %get3A_333 = arith.constant 16 : index
      %get3A_334 = tpu.vector_load %arg12[%get3A_332, %get3A_333] {strides = array<i32>} : memref<512x64xf32, #tpu.memory_space<vmem>>, vector<1x16xf32>,
      %get3A_335 = vector.shape_cast %get3A_334 : vector<1x16xf32> to vector<16xf32>
      %mul3A_336 = arith.mulf %get3A_331, %get3A_335 : vector<16xf32>
      %add3A_337 = arith.addf %mul3A_327, %mul3A_336 : vector<16xf32>
      %get3A_338 = arith.index_cast %add3A_318 : i32 to index
      %get3A_339 = arith.constant 32 : index
      %get3A_340 = tpu.vector_load %arg11[%get3A_338, %get3A_339] {strides = array<i32>} : memref<512x64xf32, #tpu.memory_space<vmem>>, vector<1x16xf32>,
      %get3A_341 = vector.shape_cast %get3A_340 : vector<1x16xf32> to vector<16xf32>
      %get3A_342 = arith.index_cast %add3A_318 : i32 to index
      %get3A_343 = arith.constant 32 : index
      %get3A_344 = tpu.vector_load %arg12[%get3A_342, %get3A_343] {strides = array<i32>} : memref<512x64xf32, #tpu.memory_space<vmem>>, vector<1x16xf32>,
      %get3A_345 = vector.shape_cast %get3A_344 : vector<1x16xf32> to vector<16xf32>
      %mul3A_346 = arith.mulf %get3A_341, %get3A_345 : vector<16xf32>
      %add3A_347 = arith.addf %add3A_337, %mul3A_346 : vector<16xf32>
      %get3A_348 = arith.index_cast %add3A_318 : i32 to index
      %get3A_349 = arith.constant 48 : index
      %get3A_350 = tpu.vector_load %arg11[%get3A_348, %get3A_349] {strides = array<i32>} : memref<512x64xf32, #tpu.memory_space<vmem>>, vector<1x16xf32>,
      %get3A_351 = vector.shape_cast %get3A_350 : vector<1x16xf32> to vector<16xf32>
      %get3A_352 = arith.index_cast %add3A_318 : i32 to index
      %get3A_353 = arith.constant 48 : index
      %get3A_354 = tpu.vector_load %arg12[%get3A_352, %get3A_353] {strides = array<i32>} : memref<512x64xf32, #tpu.memory_space<vmem>>, vector<1x16xf32>,
      %get3A_355 = vector.shape_cast %get3A_354 : vector<1x16xf32> to vector<16xf32>
      %mul3A_356 = arith.mulf %get3A_351, %get3A_355 : vector<16xf32>
      %add3A_357 = arith.addf %add3A_347, %mul3A_356 : vector<16xf32>
      %eq3A_358 = arith.constant 4 : i32
      %eq3A_359 = vector.broadcast %eq3A_358 : i32 to vector<16xi32>
      %eq3A_360 = arith.cmpi eq, %iota3A, %eq3A_359 : vector<16xi32>
      %xor3A_361 = arith.constant 8 : i32
      %xor3A_362 = vector.broadcast %xor3A_361 : i32 to vector<16xi32>
      %xor3A_363 = arith.xori %iota3A, %xor3A_362 : vector<16xi32>
      %broadcast_in_dim3A_364 = vector.shape_cast %xor3A_363 : vector<16xi32> to vector<16x1xi32>
      %gather3A_365 = vector.shape_cast %broadcast_in_dim3A_364 : vector<16x1xi32> to vector<16xi32>
      %gather3A_366 = tpu.dynamic_gather %add3A_357[%gather3A_365] in [0] : vector<16xf32>, vector<16xi32> -> vector<16xf32>
      %add3A_367 = arith.addf %add3A_357, %gather3A_366 : vector<16xf32>
      %xor3A_368 = arith.constant 4 : i32
      %xor3A_369 = vector.broadcast %xor3A_368 : i32 to vector<16xi32>
      %xor3A_370 = arith.xori %iota3A, %xor3A_369 : vector<16xi32>
      %broadcast_in_dim3A_371 = vector.shape_cast %xor3A_370 : vector<16xi32> to vector<16x1xi32>
      %gather3A_372 = vector.shape_cast %broadcast_in_dim3A_371 : vector<16x1xi32> to vector<16xi32>
      %gather3A_373 = tpu.dynamic_gather %add3A_367[%gather3A_372] in [0] : vector<16xf32>, vector<16xi32> -> vector<16xf32>
      %add3A_374 = arith.addf %add3A_367, %gather3A_373 : vector<16xf32>
      %xor3A_375 = arith.constant 2 : i32
      %xor3A_376 = vector.broadcast %xor3A_375 : i32 to vector<16xi32>
      %xor3A_377 = arith.xori %iota3A, %xor3A_376 : vector<16xi32>
      %broadcast_in_dim3A_378 = vector.shape_cast %xor3A_377 : vector<16xi32> to vector<16x1xi32>
      %gather3A_379 = vector.shape_cast %broadcast_in_dim3A_378 : vector<16x1xi32> to vector<16xi32>
      %gather3A_380 = tpu.dynamic_gather %add3A_374[%gather3A_379] in [0] : vector<16xf32>, vector<16xi32> -> vector<16xf32>
      %add3A_381 = arith.addf %add3A_374, %gather3A_380 : vector<16xf32>
      %xor3A_382 = arith.constant 1 : i32
      %xor3A_383 = vector.broadcast %xor3A_382 : i32 to vector<16xi32>
      %xor3A_384 = arith.xori %iota3A, %xor3A_383 : vector<16xi32>
      %broadcast_in_dim3A_385 = vector.shape_cast %xor3A_384 : vector<16xi32> to vector<16x1xi32>
      %gather3A_386 = vector.shape_cast %broadcast_in_dim3A_385 : vector<16x1xi32> to vector<16xi32>
      %gather3A_387 = tpu.dynamic_gather %add3A_381[%gather3A_386] in [0] : vector<16xf32>, vector<16xi32> -> vector<16xf32>
      %add3A_388 = arith.addf %add3A_381, %gather3A_387 : vector<16xf32>
      %select_n3A_389 = arith.select %eq3A_360, %add3A_388, %select_n3A_316 : vector<16xi1>, vector<16xf32>
      %add3A_390 = arith.constant 5 : i32
      %add3A_391 = arith.addi %mul3A_28, %add3A_390 : i32
      %get3A_392 = arith.index_cast %add3A_391 : i32 to index
      %get3A_393 = arith.constant 0 : index
      %get3A_394 = tpu.vector_load %arg11[%get3A_392, %get3A_393] {strides = array<i32>} : memref<512x64xf32, #tpu.memory_space<vmem>>, vector<1x16xf32>,
      %get3A_395 = vector.shape_cast %get3A_394 : vector<1x16xf32> to vector<16xf32>
      %get3A_396 = arith.index_cast %add3A_391 : i32 to index
      %get3A_397 = arith.constant 0 : index
      %get3A_398 = tpu.vector_load %arg12[%get3A_396, %get3A_397] {strides = array<i32>} : memref<512x64xf32, #tpu.memory_space<vmem>>, vector<1x16xf32>,
      %get3A_399 = vector.shape_cast %get3A_398 : vector<1x16xf32> to vector<16xf32>
      %mul3A_400 = arith.mulf %get3A_395, %get3A_399 : vector<16xf32>
      %get3A_401 = arith.index_cast %add3A_391 : i32 to index
      %get3A_402 = arith.constant 16 : index
      %get3A_403 = tpu.vector_load %arg11[%get3A_401, %get3A_402] {strides = array<i32>} : memref<512x64xf32, #tpu.memory_space<vmem>>, vector<1x16xf32>,
      %get3A_404 = vector.shape_cast %get3A_403 : vector<1x16xf32> to vector<16xf32>
      %get3A_405 = arith.index_cast %add3A_391 : i32 to index
      %get3A_406 = arith.constant 16 : index
      %get3A_407 = tpu.vector_load %arg12[%get3A_405, %get3A_406] {strides = array<i32>} : memref<512x64xf32, #tpu.memory_space<vmem>>, vector<1x16xf32>,
      %get3A_408 = vector.shape_cast %get3A_407 : vector<1x16xf32> to vector<16xf32>
      %mul3A_409 = arith.mulf %get3A_404, %get3A_408 : vector<16xf32>
      %add3A_410 = arith.addf %mul3A_400, %mul3A_409 : vector<16xf32>
      %get3A_411 = arith.index_cast %add3A_391 : i32 to index
      %get3A_412 = arith.constant 32 : index
      %get3A_413 = tpu.vector_load %arg11[%get3A_411, %get3A_412] {strides = array<i32>} : memref<512x64xf32, #tpu.memory_space<vmem>>, vector<1x16xf32>,
      %get3A_414 = vector.shape_cast %get3A_413 : vector<1x16xf32> to vector<16xf32>
      %get3A_415 = arith.index_cast %add3A_391 : i32 to index
      %get3A_416 = arith.constant 32 : index
      %get3A_417 = tpu.vector_load %arg12[%get3A_415, %get3A_416] {strides = array<i32>} : memref<512x64xf32, #tpu.memory_space<vmem>>, vector<1x16xf32>,
      %get3A_418 = vector.shape_cast %get3A_417 : vector<1x16xf32> to vector<16xf32>
      %mul3A_419 = arith.mulf %get3A_414, %get3A_418 : vector<16xf32>
      %add3A_420 = arith.addf %add3A_410, %mul3A_419 : vector<16xf32>
      %get3A_421 = arith.index_cast %add3A_391 : i32 to index
      %get3A_422 = arith.constant 48 : index
      %get3A_423 = tpu.vector_load %arg11[%get3A_421, %get3A_422] {strides = array<i32>} : memref<512x64xf32, #tpu.memory_space<vmem>>, vector<1x16xf32>,
      %get3A_424 = vector.shape_cast %get3A_423 : vector<1x16xf32> to vector<16xf32>
      %get3A_425 = arith.index_cast %add3A_391 : i32 to index
      %get3A_426 = arith.constant 48 : index
      %get3A_427 = tpu.vector_load %arg12[%get3A_425, %get3A_426] {strides = array<i32>} : memref<512x64xf32, #tpu.memory_space<vmem>>, vector<1x16xf32>,
      %get3A_428 = vector.shape_cast %get3A_427 : vector<1x16xf32> to vector<16xf32>
      %mul3A_429 = arith.mulf %get3A_424, %get3A_428 : vector<16xf32>
      %add3A_430 = arith.addf %add3A_420, %mul3A_429 : vector<16xf32>
      %eq3A_431 = arith.constant 5 : i32
      %eq3A_432 = vector.broadcast %eq3A_431 : i32 to vector<16xi32>
      %eq3A_433 = arith.cmpi eq, %iota3A, %eq3A_432 : vector<16xi32>
      %xor3A_434 = arith.constant 8 : i32
      %xor3A_435 = vector.broadcast %xor3A_434 : i32 to vector<16xi32>
      %xor3A_436 = arith.xori %iota3A, %xor3A_435 : vector<16xi32>
      %broadcast_in_dim3A_437 = vector.shape_cast %xor3A_436 : vector<16xi32> to vector<16x1xi32>
      %gather3A_438 = vector.shape_cast %broadcast_in_dim3A_437 : vector<16x1xi32> to vector<16xi32>
      %gather3A_439 = tpu.dynamic_gather %add3A_430[%gather3A_438] in [0] : vector<16xf32>, vector<16xi32> -> vector<16xf32>
      %add3A_440 = arith.addf %add3A_430, %gather3A_439 : vector<16xf32>
      %xor3A_441 = arith.constant 4 : i32
      %xor3A_442 = vector.broadcast %xor3A_441 : i32 to vector<16xi32>
      %xor3A_443 = arith.xori %iota3A, %xor3A_442 : vector<16xi32>
      %broadcast_in_dim3A_444 = vector.shape_cast %xor3A_443 : vector<16xi32> to vector<16x1xi32>
      %gather3A_445 = vector.shape_cast %broadcast_in_dim3A_444 : vector<16x1xi32> to vector<16xi32>
      %gather3A_446 = tpu.dynamic_gather %add3A_440[%gather3A_445] in [0] : vector<16xf32>, vector<16xi32> -> vector<16xf32>
      %add3A_447 = arith.addf %add3A_440, %gather3A_446 : vector<16xf32>
      %xor3A_448 = arith.constant 2 : i32
      %xor3A_449 = vector.broadcast %xor3A_448 : i32 to vector<16xi32>
      %xor3A_450 = arith.xori %iota3A, %xor3A_449 : vector<16xi32>
      %broadcast_in_dim3A_451 = vector.shape_cast %xor3A_450 : vector<16xi32> to vector<16x1xi32>
      %gather3A_452 = vector.shape_cast %broadcast_in_dim3A_451 : vector<16x1xi32> to vector<16xi32>
      %gather3A_453 = tpu.dynamic_gather %add3A_447[%gather3A_452] in [0] : vector<16xf32>, vector<16xi32> -> vector<16xf32>
      %add3A_454 = arith.addf %add3A_447, %gather3A_453 : vector<16xf32>
      %xor3A_455 = arith.constant 1 : i32
      %xor3A_456 = vector.broadcast %xor3A_455 : i32 to vector<16xi32>
      %xor3A_457 = arith.xori %iota3A, %xor3A_456 : vector<16xi32>
      %broadcast_in_dim3A_458 = vector.shape_cast %xor3A_457 : vector<16xi32> to vector<16x1xi32>
      %gather3A_459 = vector.shape_cast %broadcast_in_dim3A_458 : vector<16x1xi32> to vector<16xi32>
      %gather3A_460 = tpu.dynamic_gather %add3A_454[%gather3A_459] in [0] : vector<16xf32>, vector<16xi32> -> vector<16xf32>
      %add3A_461 = arith.addf %add3A_454, %gather3A_460 : vector<16xf32>
      %select_n3A_462 = arith.select %eq3A_433, %add3A_461, %select_n3A_389 : vector<16xi1>, vector<16xf32>
      %add3A_463 = arith.constant 6 : i32
      %add3A_464 = arith.addi %mul3A_28, %add3A_463 : i32
      %get3A_465 = arith.index_cast %add3A_464 : i32 to index
      %get3A_466 = arith.constant 0 : index
      %get3A_467 = tpu.vector_load %arg11[%get3A_465, %get3A_466] {strides = array<i32>} : memref<512x64xf32, #tpu.memory_space<vmem>>, vector<1x16xf32>,
      %get3A_468 = vector.shape_cast %get3A_467 : vector<1x16xf32> to vector<16xf32>
      %get3A_469 = arith.index_cast %add3A_464 : i32 to index
      %get3A_470 = arith.constant 0 : index
      %get3A_471 = tpu.vector_load %arg12[%get3A_469, %get3A_470] {strides = array<i32>} : memref<512x64xf32, #tpu.memory_space<vmem>>, vector<1x16xf32>,
      %get3A_472 = vector.shape_cast %get3A_471 : vector<1x16xf32> to vector<16xf32>
      %mul3A_473 = arith.mulf %get3A_468, %get3A_472 : vector<16xf32>
      %get3A_474 = arith.index_cast %add3A_464 : i32 to index
      %get3A_475 = arith.constant 16 : index
      %get3A_476 = tpu.vector_load %arg11[%get3A_474, %get3A_475] {strides = array<i32>} : memref<512x64xf32, #tpu.memory_space<vmem>>, vector<1x16xf32>,
      %get3A_477 = vector.shape_cast %get3A_476 : vector<1x16xf32> to vector<16xf32>
      %get3A_478 = arith.index_cast %add3A_464 : i32 to index
      %get3A_479 = arith.constant 16 : index
      %get3A_480 = tpu.vector_load %arg12[%get3A_478, %get3A_479] {strides = array<i32>} : memref<512x64xf32, #tpu.memory_space<vmem>>, vector<1x16xf32>,
      %get3A_481 = vector.shape_cast %get3A_480 : vector<1x16xf32> to vector<16xf32>
      %mul3A_482 = arith.mulf %get3A_477, %get3A_481 : vector<16xf32>
      %add3A_483 = arith.addf %mul3A_473, %mul3A_482 : vector<16xf32>
      %get3A_484 = arith.index_cast %add3A_464 : i32 to index
      %get3A_485 = arith.constant 32 : index
      %get3A_486 = tpu.vector_load %arg11[%get3A_484, %get3A_485] {strides = array<i32>} : memref<512x64xf32, #tpu.memory_space<vmem>>, vector<1x16xf32>,
      %get3A_487 = vector.shape_cast %get3A_486 : vector<1x16xf32> to vector<16xf32>
      %get3A_488 = arith.index_cast %add3A_464 : i32 to index
      %get3A_489 = arith.constant 32 : index
      %get3A_490 = tpu.vector_load %arg12[%get3A_488, %get3A_489] {strides = array<i32>} : memref<512x64xf32, #tpu.memory_space<vmem>>, vector<1x16xf32>,
      %get3A_491 = vector.shape_cast %get3A_490 : vector<1x16xf32> to vector<16xf32>
      %mul3A_492 = arith.mulf %get3A_487, %get3A_491 : vector<16xf32>
      %add3A_493 = arith.addf %add3A_483, %mul3A_492 : vector<16xf32>
      %get3A_494 = arith.index_cast %add3A_464 : i32 to index
      %get3A_495 = arith.constant 48 : index
      %get3A_496 = tpu.vector_load %arg11[%get3A_494, %get3A_495] {strides = array<i32>} : memref<512x64xf32, #tpu.memory_space<vmem>>, vector<1x16xf32>,
      %get3A_497 = vector.shape_cast %get3A_496 : vector<1x16xf32> to vector<16xf32>
      %get3A_498 = arith.index_cast %add3A_464 : i32 to index
      %get3A_499 = arith.constant 48 : index
      %get3A_500 = tpu.vector_load %arg12[%get3A_498, %get3A_499] {strides = array<i32>} : memref<512x64xf32, #tpu.memory_space<vmem>>, vector<1x16xf32>,
      %get3A_501 = vector.shape_cast %get3A_500 : vector<1x16xf32> to vector<16xf32>
      %mul3A_502 = arith.mulf %get3A_497, %get3A_501 : vector<16xf32>
      %add3A_503 = arith.addf %add3A_493, %mul3A_502 : vector<16xf32>
      %eq3A_504 = arith.constant 6 : i32
      %eq3A_505 = vector.broadcast %eq3A_504 : i32 to vector<16xi32>
      %eq3A_506 = arith.cmpi eq, %iota3A, %eq3A_505 : vector<16xi32>
      %xor3A_507 = arith.constant 8 : i32
      %xor3A_508 = vector.broadcast %xor3A_507 : i32 to vector<16xi32>
      %xor3A_509 = arith.xori %iota3A, %xor3A_508 : vector<16xi32>
      %broadcast_in_dim3A_510 = vector.shape_cast %xor3A_509 : vector<16xi32> to vector<16x1xi32>
      %gather3A_511 = vector.shape_cast %broadcast_in_dim3A_510 : vector<16x1xi32> to vector<16xi32>
      %gather3A_512 = tpu.dynamic_gather %add3A_503[%gather3A_511] in [0] : vector<16xf32>, vector<16xi32> -> vector<16xf32>
      %add3A_513 = arith.addf %add3A_503, %gather3A_512 : vector<16xf32>
      %xor3A_514 = arith.constant 4 : i32
      %xor3A_515 = vector.broadcast %xor3A_514 : i32 to vector<16xi32>
      %xor3A_516 = arith.xori %iota3A, %xor3A_515 : vector<16xi32>
      %broadcast_in_dim3A_517 = vector.shape_cast %xor3A_516 : vector<16xi32> to vector<16x1xi32>
      %gather3A_518 = vector.shape_cast %broadcast_in_dim3A_517 : vector<16x1xi32> to vector<16xi32>
      %gather3A_519 = tpu.dynamic_gather %add3A_513[%gather3A_518] in [0] : vector<16xf32>, vector<16xi32> -> vector<16xf32>
      %add3A_520 = arith.addf %add3A_513, %gather3A_519 : vector<16xf32>
      %xor3A_521 = arith.constant 2 : i32
      %xor3A_522 = vector.broadcast %xor3A_521 : i32 to vector<16xi32>
      %xor3A_523 = arith.xori %iota3A, %xor3A_522 : vector<16xi32>
      %broadcast_in_dim3A_524 = vector.shape_cast %xor3A_523 : vector<16xi32> to vector<16x1xi32>
      %gather3A_525 = vector.shape_cast %broadcast_in_dim3A_524 : vector<16x1xi32> to vector<16xi32>
      %gather3A_526 = tpu.dynamic_gather %add3A_520[%gather3A_525] in [0] : vector<16xf32>, vector<16xi32> -> vector<16xf32>
      %add3A_527 = arith.addf %add3A_520, %gather3A_526 : vector<16xf32>
      %xor3A_528 = arith.constant 1 : i32
      %xor3A_529 = vector.broadcast %xor3A_528 : i32 to vector<16xi32>
      %xor3A_530 = arith.xori %iota3A, %xor3A_529 : vector<16xi32>
      %broadcast_in_dim3A_531 = vector.shape_cast %xor3A_530 : vector<16xi32> to vector<16x1xi32>
      %gather3A_532 = vector.shape_cast %broadcast_in_dim3A_531 : vector<16x1xi32> to vector<16xi32>
      %gather3A_533 = tpu.dynamic_gather %add3A_527[%gather3A_532] in [0] : vector<16xf32>, vector<16xi32> -> vector<16xf32>
      %add3A_534 = arith.addf %add3A_527, %gather3A_533 : vector<16xf32>
      %select_n3A_535 = arith.select %eq3A_506, %add3A_534, %select_n3A_462 : vector<16xi1>, vector<16xf32>
      %add3A_536 = arith.constant 7 : i32
      %add3A_537 = arith.addi %mul3A_28, %add3A_536 : i32
      %get3A_538 = arith.index_cast %add3A_537 : i32 to index
      %get3A_539 = arith.constant 0 : index
      %get3A_540 = tpu.vector_load %arg11[%get3A_538, %get3A_539] {strides = array<i32>} : memref<512x64xf32, #tpu.memory_space<vmem>>, vector<1x16xf32>,
      %get3A_541 = vector.shape_cast %get3A_540 : vector<1x16xf32> to vector<16xf32>
      %get3A_542 = arith.index_cast %add3A_537 : i32 to index
      %get3A_543 = arith.constant 0 : index
      %get3A_544 = tpu.vector_load %arg12[%get3A_542, %get3A_543] {strides = array<i32>} : memref<512x64xf32, #tpu.memory_space<vmem>>, vector<1x16xf32>,
      %get3A_545 = vector.shape_cast %get3A_544 : vector<1x16xf32> to vector<16xf32>
      %mul3A_546 = arith.mulf %get3A_541, %get3A_545 : vector<16xf32>
      %get3A_547 = arith.index_cast %add3A_537 : i32 to index
      %get3A_548 = arith.constant 16 : index
      %get3A_549 = tpu.vector_load %arg11[%get3A_547, %get3A_548] {strides = array<i32>} : memref<512x64xf32, #tpu.memory_space<vmem>>, vector<1x16xf32>,
      %get3A_550 = vector.shape_cast %get3A_549 : vector<1x16xf32> to vector<16xf32>
      %get3A_551 = arith.index_cast %add3A_537 : i32 to index
      %get3A_552 = arith.constant 16 : index
      %get3A_553 = tpu.vector_load %arg12[%get3A_551, %get3A_552] {strides = array<i32>} : memref<512x64xf32, #tpu.memory_space<vmem>>, vector<1x16xf32>,
      %get3A_554 = vector.shape_cast %get3A_553 : vector<1x16xf32> to vector<16xf32>
      %mul3A_555 = arith.mulf %get3A_550, %get3A_554 : vector<16xf32>
      %add3A_556 = arith.addf %mul3A_546, %mul3A_555 : vector<16xf32>
      %get3A_557 = arith.index_cast %add3A_537 : i32 to index
      %get3A_558 = arith.constant 32 : index
      %get3A_559 = tpu.vector_load %arg11[%get3A_557, %get3A_558] {strides = array<i32>} : memref<512x64xf32, #tpu.memory_space<vmem>>, vector<1x16xf32>,
      %get3A_560 = vector.shape_cast %get3A_559 : vector<1x16xf32> to vector<16xf32>
      %get3A_561 = arith.index_cast %add3A_537 : i32 to index
      %get3A_562 = arith.constant 32 : index
      %get3A_563 = tpu.vector_load %arg12[%get3A_561, %get3A_562] {strides = array<i32>} : memref<512x64xf32, #tpu.memory_space<vmem>>, vector<1x16xf32>,
      %get3A_564 = vector.shape_cast %get3A_563 : vector<1x16xf32> to vector<16xf32>
      %mul3A_565 = arith.mulf %get3A_560, %get3A_564 : vector<16xf32>
      %add3A_566 = arith.addf %add3A_556, %mul3A_565 : vector<16xf32>
      %get3A_567 = arith.index_cast %add3A_537 : i32 to index
      %get3A_568 = arith.constant 48 : index
      %get3A_569 = tpu.vector_load %arg11[%get3A_567, %get3A_568] {strides = array<i32>} : memref<512x64xf32, #tpu.memory_space<vmem>>, vector<1x16xf32>,
      %get3A_570 = vector.shape_cast %get3A_569 : vector<1x16xf32> to vector<16xf32>
      %get3A_571 = arith.index_cast %add3A_537 : i32 to index
      %get3A_572 = arith.constant 48 : index
      %get3A_573 = tpu.vector_load %arg12[%get3A_571, %get3A_572] {strides = array<i32>} : memref<512x64xf32, #tpu.memory_space<vmem>>, vector<1x16xf32>,
      %get3A_574 = vector.shape_cast %get3A_573 : vector<1x16xf32> to vector<16xf32>
      %mul3A_575 = arith.mulf %get3A_570, %get3A_574 : vector<16xf32>
      %add3A_576 = arith.addf %add3A_566, %mul3A_575 : vector<16xf32>
      %eq3A_577 = arith.constant 7 : i32
      %eq3A_578 = vector.broadcast %eq3A_577 : i32 to vector<16xi32>
      %eq3A_579 = arith.cmpi eq, %iota3A, %eq3A_578 : vector<16xi32>
      %xor3A_580 = arith.constant 8 : i32
      %xor3A_581 = vector.broadcast %xor3A_580 : i32 to vector<16xi32>
      %xor3A_582 = arith.xori %iota3A, %xor3A_581 : vector<16xi32>
      %broadcast_in_dim3A_583 = vector.shape_cast %xor3A_582 : vector<16xi32> to vector<16x1xi32>
      %gather3A_584 = vector.shape_cast %broadcast_in_dim3A_583 : vector<16x1xi32> to vector<16xi32>
      %gather3A_585 = tpu.dynamic_gather %add3A_576[%gather3A_584] in [0] : vector<16xf32>, vector<16xi32> -> vector<16xf32>
      %add3A_586 = arith.addf %add3A_576, %gather3A_585 : vector<16xf32>
      %xor3A_587 = arith.constant 4 : i32
      %xor3A_588 = vector.broadcast %xor3A_587 : i32 to vector<16xi32>
      %xor3A_589 = arith.xori %iota3A, %xor3A_588 : vector<16xi32>
      %broadcast_in_dim3A_590 = vector.shape_cast %xor3A_589 : vector<16xi32> to vector<16x1xi32>
      %gather3A_591 = vector.shape_cast %broadcast_in_dim3A_590 : vector<16x1xi32> to vector<16xi32>
      %gather3A_592 = tpu.dynamic_gather %add3A_586[%gather3A_591] in [0] : vector<16xf32>, vector<16xi32> -> vector<16xf32>
      %add3A_593 = arith.addf %add3A_586, %gather3A_592 : vector<16xf32>
      %xor3A_594 = arith.constant 2 : i32
      %xor3A_595 = vector.broadcast %xor3A_594 : i32 to vector<16xi32>
      %xor3A_596 = arith.xori %iota3A, %xor3A_595 : vector<16xi32>
      %broadcast_in_dim3A_597 = vector.shape_cast %xor3A_596 : vector<16xi32> to vector<16x1xi32>
      %gather3A_598 = vector.shape_cast %broadcast_in_dim3A_597 : vector<16x1xi32> to vector<16xi32>
      %gather3A_599 = tpu.dynamic_gather %add3A_593[%gather3A_598] in [0] : vector<16xf32>, vector<16xi32> -> vector<16xf32>
      %add3A_600 = arith.addf %add3A_593, %gather3A_599 : vector<16xf32>
      %xor3A_601 = arith.constant 1 : i32
      %xor3A_602 = vector.broadcast %xor3A_601 : i32 to vector<16xi32>
      %xor3A_603 = arith.xori %iota3A, %xor3A_602 : vector<16xi32>
      %broadcast_in_dim3A_604 = vector.shape_cast %xor3A_603 : vector<16xi32> to vector<16x1xi32>
      %gather3A_605 = vector.shape_cast %broadcast_in_dim3A_604 : vector<16x1xi32> to vector<16xi32>
      %gather3A_606 = tpu.dynamic_gather %add3A_600[%gather3A_605] in [0] : vector<16xf32>, vector<16xi32> -> vector<16xf32>
      %add3A_607 = arith.addf %add3A_600, %gather3A_606 : vector<16xf32>
      %select_n3A_608 = arith.select %eq3A_579, %add3A_607, %select_n3A_535 : vector<16xi1>, vector<16xf32>
      %add3A_609 = arith.constant 8 : i32
      %add3A_610 = arith.addi %mul3A_28, %add3A_609 : i32
      %get3A_611 = arith.index_cast %add3A_610 : i32 to index
      %get3A_612 = arith.constant 0 : index
      %get3A_613 = tpu.vector_load %arg11[%get3A_611, %get3A_612] {strides = array<i32>} : memref<512x64xf32, #tpu.memory_space<vmem>>, vector<1x16xf32>,
      %get3A_614 = vector.shape_cast %get3A_613 : vector<1x16xf32> to vector<16xf32>
      %get3A_615 = arith.index_cast %add3A_610 : i32 to index
      %get3A_616 = arith.constant 0 : index
      %get3A_617 = tpu.vector_load %arg12[%get3A_615, %get3A_616] {strides = array<i32>} : memref<512x64xf32, #tpu.memory_space<vmem>>, vector<1x16xf32>,
      %get3A_618 = vector.shape_cast %get3A_617 : vector<1x16xf32> to vector<16xf32>
      %mul3A_619 = arith.mulf %get3A_614, %get3A_618 : vector<16xf32>
      %get3A_620 = arith.index_cast %add3A_610 : i32 to index
      %get3A_621 = arith.constant 16 : index
      %get3A_622 = tpu.vector_load %arg11[%get3A_620, %get3A_621] {strides = array<i32>} : memref<512x64xf32, #tpu.memory_space<vmem>>, vector<1x16xf32>,
      %get3A_623 = vector.shape_cast %get3A_622 : vector<1x16xf32> to vector<16xf32>
      %get3A_624 = arith.index_cast %add3A_610 : i32 to index
      %get3A_625 = arith.constant 16 : index
      %get3A_626 = tpu.vector_load %arg12[%get3A_624, %get3A_625] {strides = array<i32>} : memref<512x64xf32, #tpu.memory_space<vmem>>, vector<1x16xf32>,
      %get3A_627 = vector.shape_cast %get3A_626 : vector<1x16xf32> to vector<16xf32>
      %mul3A_628 = arith.mulf %get3A_623, %get3A_627 : vector<16xf32>
      %add3A_629 = arith.addf %mul3A_619, %mul3A_628 : vector<16xf32>
      %get3A_630 = arith.index_cast %add3A_610 : i32 to index
      %get3A_631 = arith.constant 32 : index
      %get3A_632 = tpu.vector_load %arg11[%get3A_630, %get3A_631] {strides = array<i32>} : memref<512x64xf32, #tpu.memory_space<vmem>>, vector<1x16xf32>,
      %get3A_633 = vector.shape_cast %get3A_632 : vector<1x16xf32> to vector<16xf32>
      %get3A_634 = arith.index_cast %add3A_610 : i32 to index
      %get3A_635 = arith.constant 32 : index
      %get3A_636 = tpu.vector_load %arg12[%get3A_634, %get3A_635] {strides = array<i32>} : memref<512x64xf32, #tpu.memory_space<vmem>>, vector<1x16xf32>,
      %get3A_637 = vector.shape_cast %get3A_636 : vector<1x16xf32> to vector<16xf32>
      %mul3A_638 = arith.mulf %get3A_633, %get3A_637 : vector<16xf32>
      %add3A_639 = arith.addf %add3A_629, %mul3A_638 : vector<16xf32>
      %get3A_640 = arith.index_cast %add3A_610 : i32 to index
      %get3A_641 = arith.constant 48 : index
      %get3A_642 = tpu.vector_load %arg11[%get3A_640, %get3A_641] {strides = array<i32>} : memref<512x64xf32, #tpu.memory_space<vmem>>, vector<1x16xf32>,
      %get3A_643 = vector.shape_cast %get3A_642 : vector<1x16xf32> to vector<16xf32>
      %get3A_644 = arith.index_cast %add3A_610 : i32 to index
      %get3A_645 = arith.constant 48 : index
      %get3A_646 = tpu.vector_load %arg12[%get3A_644, %get3A_645] {strides = array<i32>} : memref<512x64xf32, #tpu.memory_space<vmem>>, vector<1x16xf32>,
      %get3A_647 = vector.shape_cast %get3A_646 : vector<1x16xf32> to vector<16xf32>
      %mul3A_648 = arith.mulf %get3A_643, %get3A_647 : vector<16xf32>
      %add3A_649 = arith.addf %add3A_639, %mul3A_648 : vector<16xf32>
      %eq3A_650 = arith.constant 8 : i32
      %eq3A_651 = vector.broadcast %eq3A_650 : i32 to vector<16xi32>
      %eq3A_652 = arith.cmpi eq, %iota3A, %eq3A_651 : vector<16xi32>
      %xor3A_653 = arith.constant 8 : i32
      %xor3A_654 = vector.broadcast %xor3A_653 : i32 to vector<16xi32>
      %xor3A_655 = arith.xori %iota3A, %xor3A_654 : vector<16xi32>
      %broadcast_in_dim3A_656 = vector.shape_cast %xor3A_655 : vector<16xi32> to vector<16x1xi32>
      %gather3A_657 = vector.shape_cast %broadcast_in_dim3A_656 : vector<16x1xi32> to vector<16xi32>
      %gather3A_658 = tpu.dynamic_gather %add3A_649[%gather3A_657] in [0] : vector<16xf32>, vector<16xi32> -> vector<16xf32>
      %add3A_659 = arith.addf %add3A_649, %gather3A_658 : vector<16xf32>
      %xor3A_660 = arith.constant 4 : i32
      %xor3A_661 = vector.broadcast %xor3A_660 : i32 to vector<16xi32>
      %xor3A_662 = arith.xori %iota3A, %xor3A_661 : vector<16xi32>
      %broadcast_in_dim3A_663 = vector.shape_cast %xor3A_662 : vector<16xi32> to vector<16x1xi32>
      %gather3A_664 = vector.shape_cast %broadcast_in_dim3A_663 : vector<16x1xi32> to vector<16xi32>
      %gather3A_665 = tpu.dynamic_gather %add3A_659[%gather3A_664] in [0] : vector<16xf32>, vector<16xi32> -> vector<16xf32>
      %add3A_666 = arith.addf %add3A_659, %gather3A_665 : vector<16xf32>
      %xor3A_667 = arith.constant 2 : i32
      %xor3A_668 = vector.broadcast %xor3A_667 : i32 to vector<16xi32>
      %xor3A_669 = arith.xori %iota3A, %xor3A_668 : vector<16xi32>
      %broadcast_in_dim3A_670 = vector.shape_cast %xor3A_669 : vector<16xi32> to vector<16x1xi32>
      %gather3A_671 = vector.shape_cast %broadcast_in_dim3A_670 : vector<16x1xi32> to vector<16xi32>
      %gather3A_672 = tpu.dynamic_gather %add3A_666[%gather3A_671] in [0] : vector<16xf32>, vector<16xi32> -> vector<16xf32>
      %add3A_673 = arith.addf %add3A_666, %gather3A_672 : vector<16xf32>
      %xor3A_674 = arith.constant 1 : i32
      %xor3A_675 = vector.broadcast %xor3A_674 : i32 to vector<16xi32>
      %xor3A_676 = arith.xori %iota3A, %xor3A_675 : vector<16xi32>
      %broadcast_in_dim3A_677 = vector.shape_cast %xor3A_676 : vector<16xi32> to vector<16x1xi32>
      %gather3A_678 = vector.shape_cast %broadcast_in_dim3A_677 : vector<16x1xi32> to vector<16xi32>
      %gather3A_679 = tpu.dynamic_gather %add3A_673[%gather3A_678] in [0] : vector<16xf32>, vector<16xi32> -> vector<16xf32>
      %add3A_680 = arith.addf %add3A_673, %gather3A_679 : vector<16xf32>
      %select_n3A_681 = arith.select %eq3A_652, %add3A_680, %select_n3A_608 : vector<16xi1>, vector<16xf32>
      %add3A_682 = arith.constant 9 : i32
      %add3A_683 = arith.addi %mul3A_28, %add3A_682 : i32
      %get3A_684 = arith.index_cast %add3A_683 : i32 to index
      %get3A_685 = arith.constant 0 : index
      %get3A_686 = tpu.vector_load %arg11[%get3A_684, %get3A_685] {strides = array<i32>} : memref<512x64xf32, #tpu.memory_space<vmem>>, vector<1x16xf32>,
      %get3A_687 = vector.shape_cast %get3A_686 : vector<1x16xf32> to vector<16xf32>
      %get3A_688 = arith.index_cast %add3A_683 : i32 to index
      %get3A_689 = arith.constant 0 : index
      %get3A_690 = tpu.vector_load %arg12[%get3A_688, %get3A_689] {strides = array<i32>} : memref<512x64xf32, #tpu.memory_space<vmem>>, vector<1x16xf32>,
      %get3A_691 = vector.shape_cast %get3A_690 : vector<1x16xf32> to vector<16xf32>
      %mul3A_692 = arith.mulf %get3A_687, %get3A_691 : vector<16xf32>
      %get3A_693 = arith.index_cast %add3A_683 : i32 to index
      %get3A_694 = arith.constant 16 : index
      %get3A_695 = tpu.vector_load %arg11[%get3A_693, %get3A_694] {strides = array<i32>} : memref<512x64xf32, #tpu.memory_space<vmem>>, vector<1x16xf32>,
      %get3A_696 = vector.shape_cast %get3A_695 : vector<1x16xf32> to vector<16xf32>
      %get3A_697 = arith.index_cast %add3A_683 : i32 to index
      %get3A_698 = arith.constant 16 : index
      %get3A_699 = tpu.vector_load %arg12[%get3A_697, %get3A_698] {strides = array<i32>} : memref<512x64xf32, #tpu.memory_space<vmem>>, vector<1x16xf32>,
      %get3A_700 = vector.shape_cast %get3A_699 : vector<1x16xf32> to vector<16xf32>
      %mul3A_701 = arith.mulf %get3A_696, %get3A_700 : vector<16xf32>
      %add3A_702 = arith.addf %mul3A_692, %mul3A_701 : vector<16xf32>
      %get3A_703 = arith.index_cast %add3A_683 : i32 to index
      %get3A_704 = arith.constant 32 : index
      %get3A_705 = tpu.vector_load %arg11[%get3A_703, %get3A_704] {strides = array<i32>} : memref<512x64xf32, #tpu.memory_space<vmem>>, vector<1x16xf32>,
      %get3A_706 = vector.shape_cast %get3A_705 : vector<1x16xf32> to vector<16xf32>
      %get3A_707 = arith.index_cast %add3A_683 : i32 to index
      %get3A_708 = arith.constant 32 : index
      %get3A_709 = tpu.vector_load %arg12[%get3A_707, %get3A_708] {strides = array<i32>} : memref<512x64xf32, #tpu.memory_space<vmem>>, vector<1x16xf32>,
      %get3A_710 = vector.shape_cast %get3A_709 : vector<1x16xf32> to vector<16xf32>
      %mul3A_711 = arith.mulf %get3A_706, %get3A_710 : vector<16xf32>
      %add3A_712 = arith.addf %add3A_702, %mul3A_711 : vector<16xf32>
      %get3A_713 = arith.index_cast %add3A_683 : i32 to index
      %get3A_714 = arith.constant 48 : index
      %get3A_715 = tpu.vector_load %arg11[%get3A_713, %get3A_714] {strides = array<i32>} : memref<512x64xf32, #tpu.memory_space<vmem>>, vector<1x16xf32>,
      %get3A_716 = vector.shape_cast %get3A_715 : vector<1x16xf32> to vector<16xf32>
      %get3A_717 = arith.index_cast %add3A_683 : i32 to index
      %get3A_718 = arith.constant 48 : index
      %get3A_719 = tpu.vector_load %arg12[%get3A_717, %get3A_718] {strides = array<i32>} : memref<512x64xf32, #tpu.memory_space<vmem>>, vector<1x16xf32>,
      %get3A_720 = vector.shape_cast %get3A_719 : vector<1x16xf32> to vector<16xf32>
      %mul3A_721 = arith.mulf %get3A_716, %get3A_720 : vector<16xf32>
      %add3A_722 = arith.addf %add3A_712, %mul3A_721 : vector<16xf32>
      %eq3A_723 = arith.constant 9 : i32
      %eq3A_724 = vector.broadcast %eq3A_723 : i32 to vector<16xi32>
      %eq3A_725 = arith.cmpi eq, %iota3A, %eq3A_724 : vector<16xi32>
      %xor3A_726 = arith.constant 8 : i32
      %xor3A_727 = vector.broadcast %xor3A_726 : i32 to vector<16xi32>
      %xor3A_728 = arith.xori %iota3A, %xor3A_727 : vector<16xi32>
      %broadcast_in_dim3A_729 = vector.shape_cast %xor3A_728 : vector<16xi32> to vector<16x1xi32>
      %gather3A_730 = vector.shape_cast %broadcast_in_dim3A_729 : vector<16x1xi32> to vector<16xi32>
      %gather3A_731 = tpu.dynamic_gather %add3A_722[%gather3A_730] in [0] : vector<16xf32>, vector<16xi32> -> vector<16xf32>
      %add3A_732 = arith.addf %add3A_722, %gather3A_731 : vector<16xf32>
      %xor3A_733 = arith.constant 4 : i32
      %xor3A_734 = vector.broadcast %xor3A_733 : i32 to vector<16xi32>
      %xor3A_735 = arith.xori %iota3A, %xor3A_734 : vector<16xi32>
      %broadcast_in_dim3A_736 = vector.shape_cast %xor3A_735 : vector<16xi32> to vector<16x1xi32>
      %gather3A_737 = vector.shape_cast %broadcast_in_dim3A_736 : vector<16x1xi32> to vector<16xi32>
      %gather3A_738 = tpu.dynamic_gather %add3A_732[%gather3A_737] in [0] : vector<16xf32>, vector<16xi32> -> vector<16xf32>
      %add3A_739 = arith.addf %add3A_732, %gather3A_738 : vector<16xf32>
      %xor3A_740 = arith.constant 2 : i32
      %xor3A_741 = vector.broadcast %xor3A_740 : i32 to vector<16xi32>
      %xor3A_742 = arith.xori %iota3A, %xor3A_741 : vector<16xi32>
      %broadcast_in_dim3A_743 = vector.shape_cast %xor3A_742 : vector<16xi32> to vector<16x1xi32>
      %gather3A_744 = vector.shape_cast %broadcast_in_dim3A_743 : vector<16x1xi32> to vector<16xi32>
      %gather3A_745 = tpu.dynamic_gather %add3A_739[%gather3A_744] in [0] : vector<16xf32>, vector<16xi32> -> vector<16xf32>
      %add3A_746 = arith.addf %add3A_739, %gather3A_745 : vector<16xf32>
      %xor3A_747 = arith.constant 1 : i32
      %xor3A_748 = vector.broadcast %xor3A_747 : i32 to vector<16xi32>
      %xor3A_749 = arith.xori %iota3A, %xor3A_748 : vector<16xi32>
      %broadcast_in_dim3A_750 = vector.shape_cast %xor3A_749 : vector<16xi32> to vector<16x1xi32>
      %gather3A_751 = vector.shape_cast %broadcast_in_dim3A_750 : vector<16x1xi32> to vector<16xi32>
      %gather3A_752 = tpu.dynamic_gather %add3A_746[%gather3A_751] in [0] : vector<16xf32>, vector<16xi32> -> vector<16xf32>
      %add3A_753 = arith.addf %add3A_746, %gather3A_752 : vector<16xf32>
      %select_n3A_754 = arith.select %eq3A_725, %add3A_753, %select_n3A_681 : vector<16xi1>, vector<16xf32>
      %add3A_755 = arith.constant 10 : i32
      %add3A_756 = arith.addi %mul3A_28, %add3A_755 : i32
      %get3A_757 = arith.index_cast %add3A_756 : i32 to index
      %get3A_758 = arith.constant 0 : index
      %get3A_759 = tpu.vector_load %arg11[%get3A_757, %get3A_758] {strides = array<i32>} : memref<512x64xf32, #tpu.memory_space<vmem>>, vector<1x16xf32>,
      %get3A_760 = vector.shape_cast %get3A_759 : vector<1x16xf32> to vector<16xf32>
      %get3A_761 = arith.index_cast %add3A_756 : i32 to index
      %get3A_762 = arith.constant 0 : index
      %get3A_763 = tpu.vector_load %arg12[%get3A_761, %get3A_762] {strides = array<i32>} : memref<512x64xf32, #tpu.memory_space<vmem>>, vector<1x16xf32>,
      %get3A_764 = vector.shape_cast %get3A_763 : vector<1x16xf32> to vector<16xf32>
      %mul3A_765 = arith.mulf %get3A_760, %get3A_764 : vector<16xf32>
      %get3A_766 = arith.index_cast %add3A_756 : i32 to index
      %get3A_767 = arith.constant 16 : index
      %get3A_768 = tpu.vector_load %arg11[%get3A_766, %get3A_767] {strides = array<i32>} : memref<512x64xf32, #tpu.memory_space<vmem>>, vector<1x16xf32>,
      %get3A_769 = vector.shape_cast %get3A_768 : vector<1x16xf32> to vector<16xf32>
      %get3A_770 = arith.index_cast %add3A_756 : i32 to index
      %get3A_771 = arith.constant 16 : index
      %get3A_772 = tpu.vector_load %arg12[%get3A_770, %get3A_771] {strides = array<i32>} : memref<512x64xf32, #tpu.memory_space<vmem>>, vector<1x16xf32>,
      %get3A_773 = vector.shape_cast %get3A_772 : vector<1x16xf32> to vector<16xf32>
      %mul3A_774 = arith.mulf %get3A_769, %get3A_773 : vector<16xf32>
      %add3A_775 = arith.addf %mul3A_765, %mul3A_774 : vector<16xf32>
      %get3A_776 = arith.index_cast %add3A_756 : i32 to index
      %get3A_777 = arith.constant 32 : index
      %get3A_778 = tpu.vector_load %arg11[%get3A_776, %get3A_777] {strides = array<i32>} : memref<512x64xf32, #tpu.memory_space<vmem>>, vector<1x16xf32>,
      %get3A_779 = vector.shape_cast %get3A_778 : vector<1x16xf32> to vector<16xf32>
      %get3A_780 = arith.index_cast %add3A_756 : i32 to index
      %get3A_781 = arith.constant 32 : index
      %get3A_782 = tpu.vector_load %arg12[%get3A_780, %get3A_781] {strides = array<i32>} : memref<512x64xf32, #tpu.memory_space<vmem>>, vector<1x16xf32>,
      %get3A_783 = vector.shape_cast %get3A_782 : vector<1x16xf32> to vector<16xf32>
      %mul3A_784 = arith.mulf %get3A_779, %get3A_783 : vector<16xf32>
      %add3A_785 = arith.addf %add3A_775, %mul3A_784 : vector<16xf32>
      %get3A_786 = arith.index_cast %add3A_756 : i32 to index
      %get3A_787 = arith.constant 48 : index
      %get3A_788 = tpu.vector_load %arg11[%get3A_786, %get3A_787] {strides = array<i32>} : memref<512x64xf32, #tpu.memory_space<vmem>>, vector<1x16xf32>,
      %get3A_789 = vector.shape_cast %get3A_788 : vector<1x16xf32> to vector<16xf32>
      %get3A_790 = arith.index_cast %add3A_756 : i32 to index
      %get3A_791 = arith.constant 48 : index
      %get3A_792 = tpu.vector_load %arg12[%get3A_790, %get3A_791] {strides = array<i32>} : memref<512x64xf32, #tpu.memory_space<vmem>>, vector<1x16xf32>,
      %get3A_793 = vector.shape_cast %get3A_792 : vector<1x16xf32> to vector<16xf32>
      %mul3A_794 = arith.mulf %get3A_789, %get3A_793 : vector<16xf32>
      %add3A_795 = arith.addf %add3A_785, %mul3A_794 : vector<16xf32>
      %eq3A_796 = arith.constant 10 : i32
      %eq3A_797 = vector.broadcast %eq3A_796 : i32 to vector<16xi32>
      %eq3A_798 = arith.cmpi eq, %iota3A, %eq3A_797 : vector<16xi32>
      %xor3A_799 = arith.constant 8 : i32
      %xor3A_800 = vector.broadcast %xor3A_799 : i32 to vector<16xi32>
      %xor3A_801 = arith.xori %iota3A, %xor3A_800 : vector<16xi32>
      %broadcast_in_dim3A_802 = vector.shape_cast %xor3A_801 : vector<16xi32> to vector<16x1xi32>
      %gather3A_803 = vector.shape_cast %broadcast_in_dim3A_802 : vector<16x1xi32> to vector<16xi32>
      %gather3A_804 = tpu.dynamic_gather %add3A_795[%gather3A_803] in [0] : vector<16xf32>, vector<16xi32> -> vector<16xf32>
      %add3A_805 = arith.addf %add3A_795, %gather3A_804 : vector<16xf32>
      %xor3A_806 = arith.constant 4 : i32
      %xor3A_807 = vector.broadcast %xor3A_806 : i32 to vector<16xi32>
      %xor3A_808 = arith.xori %iota3A, %xor3A_807 : vector<16xi32>
      %broadcast_in_dim3A_809 = vector.shape_cast %xor3A_808 : vector<16xi32> to vector<16x1xi32>
      %gather3A_810 = vector.shape_cast %broadcast_in_dim3A_809 : vector<16x1xi32> to vector<16xi32>
      %gather3A_811 = tpu.dynamic_gather %add3A_805[%gather3A_810] in [0] : vector<16xf32>, vector<16xi32> -> vector<16xf32>
      %add3A_812 = arith.addf %add3A_805, %gather3A_811 : vector<16xf32>
      %xor3A_813 = arith.constant 2 : i32
      %xor3A_814 = vector.broadcast %xor3A_813 : i32 to vector<16xi32>
      %xor3A_815 = arith.xori %iota3A, %xor3A_814 : vector<16xi32>
      %broadcast_in_dim3A_816 = vector.shape_cast %xor3A_815 : vector<16xi32> to vector<16x1xi32>
      %gather3A_817 = vector.shape_cast %broadcast_in_dim3A_816 : vector<16x1xi32> to vector<16xi32>
      %gather3A_818 = tpu.dynamic_gather %add3A_812[%gather3A_817] in [0] : vector<16xf32>, vector<16xi32> -> vector<16xf32>
      %add3A_819 = arith.addf %add3A_812, %gather3A_818 : vector<16xf32>
      %xor3A_820 = arith.constant 1 : i32
      %xor3A_821 = vector.broadcast %xor3A_820 : i32 to vector<16xi32>
      %xor3A_822 = arith.xori %iota3A, %xor3A_821 : vector<16xi32>
      %broadcast_in_dim3A_823 = vector.shape_cast %xor3A_822 : vector<16xi32> to vector<16x1xi32>
      %gather3A_824 = vector.shape_cast %broadcast_in_dim3A_823 : vector<16x1xi32> to vector<16xi32>
      %gather3A_825 = tpu.dynamic_gather %add3A_819[%gather3A_824] in [0] : vector<16xf32>, vector<16xi32> -> vector<16xf32>
      %add3A_826 = arith.addf %add3A_819, %gather3A_825 : vector<16xf32>
      %select_n3A_827 = arith.select %eq3A_798, %add3A_826, %select_n3A_754 : vector<16xi1>, vector<16xf32>
      %add3A_828 = arith.constant 11 : i32
      %add3A_829 = arith.addi %mul3A_28, %add3A_828 : i32
      %get3A_830 = arith.index_cast %add3A_829 : i32 to index
      %get3A_831 = arith.constant 0 : index
      %get3A_832 = tpu.vector_load %arg11[%get3A_830, %get3A_831] {strides = array<i32>} : memref<512x64xf32, #tpu.memory_space<vmem>>, vector<1x16xf32>,
      %get3A_833 = vector.shape_cast %get3A_832 : vector<1x16xf32> to vector<16xf32>
      %get3A_834 = arith.index_cast %add3A_829 : i32 to index
      %get3A_835 = arith.constant 0 : index
      %get3A_836 = tpu.vector_load %arg12[%get3A_834, %get3A_835] {strides = array<i32>} : memref<512x64xf32, #tpu.memory_space<vmem>>, vector<1x16xf32>,
      %get3A_837 = vector.shape_cast %get3A_836 : vector<1x16xf32> to vector<16xf32>
      %mul3A_838 = arith.mulf %get3A_833, %get3A_837 : vector<16xf32>
      %get3A_839 = arith.index_cast %add3A_829 : i32 to index
      %get3A_840 = arith.constant 16 : index
      %get3A_841 = tpu.vector_load %arg11[%get3A_839, %get3A_840] {strides = array<i32>} : memref<512x64xf32, #tpu.memory_space<vmem>>, vector<1x16xf32>,
      %get3A_842 = vector.shape_cast %get3A_841 : vector<1x16xf32> to vector<16xf32>
      %get3A_843 = arith.index_cast %add3A_829 : i32 to index
      %get3A_844 = arith.constant 16 : index
      %get3A_845 = tpu.vector_load %arg12[%get3A_843, %get3A_844] {strides = array<i32>} : memref<512x64xf32, #tpu.memory_space<vmem>>, vector<1x16xf32>,
      %get3A_846 = vector.shape_cast %get3A_845 : vector<1x16xf32> to vector<16xf32>
      %mul3A_847 = arith.mulf %get3A_842, %get3A_846 : vector<16xf32>
      %add3A_848 = arith.addf %mul3A_838, %mul3A_847 : vector<16xf32>
      %get3A_849 = arith.index_cast %add3A_829 : i32 to index
      %get3A_850 = arith.constant 32 : index
      %get3A_851 = tpu.vector_load %arg11[%get3A_849, %get3A_850] {strides = array<i32>} : memref<512x64xf32, #tpu.memory_space<vmem>>, vector<1x16xf32>,
      %get3A_852 = vector.shape_cast %get3A_851 : vector<1x16xf32> to vector<16xf32>
      %get3A_853 = arith.index_cast %add3A_829 : i32 to index
      %get3A_854 = arith.constant 32 : index
      %get3A_855 = tpu.vector_load %arg12[%get3A_853, %get3A_854] {strides = array<i32>} : memref<512x64xf32, #tpu.memory_space<vmem>>, vector<1x16xf32>,
      %get3A_856 = vector.shape_cast %get3A_855 : vector<1x16xf32> to vector<16xf32>
      %mul3A_857 = arith.mulf %get3A_852, %get3A_856 : vector<16xf32>
      %add3A_858 = arith.addf %add3A_848, %mul3A_857 : vector<16xf32>
      %get3A_859 = arith.index_cast %add3A_829 : i32 to index
      %get3A_860 = arith.constant 48 : index
      %get3A_861 = tpu.vector_load %arg11[%get3A_859, %get3A_860] {strides = array<i32>} : memref<512x64xf32, #tpu.memory_space<vmem>>, vector<1x16xf32>,
      %get3A_862 = vector.shape_cast %get3A_861 : vector<1x16xf32> to vector<16xf32>
      %get3A_863 = arith.index_cast %add3A_829 : i32 to index
      %get3A_864 = arith.constant 48 : index
      %get3A_865 = tpu.vector_load %arg12[%get3A_863, %get3A_864] {strides = array<i32>} : memref<512x64xf32, #tpu.memory_space<vmem>>, vector<1x16xf32>,
      %get3A_866 = vector.shape_cast %get3A_865 : vector<1x16xf32> to vector<16xf32>
      %mul3A_867 = arith.mulf %get3A_862, %get3A_866 : vector<16xf32>
      %add3A_868 = arith.addf %add3A_858, %mul3A_867 : vector<16xf32>
      %eq3A_869 = arith.constant 11 : i32
      %eq3A_870 = vector.broadcast %eq3A_869 : i32 to vector<16xi32>
      %eq3A_871 = arith.cmpi eq, %iota3A, %eq3A_870 : vector<16xi32>
      %xor3A_872 = arith.constant 8 : i32
      %xor3A_873 = vector.broadcast %xor3A_872 : i32 to vector<16xi32>
      %xor3A_874 = arith.xori %iota3A, %xor3A_873 : vector<16xi32>
      %broadcast_in_dim3A_875 = vector.shape_cast %xor3A_874 : vector<16xi32> to vector<16x1xi32>
      %gather3A_876 = vector.shape_cast %broadcast_in_dim3A_875 : vector<16x1xi32> to vector<16xi32>
      %gather3A_877 = tpu.dynamic_gather %add3A_868[%gather3A_876] in [0] : vector<16xf32>, vector<16xi32> -> vector<16xf32>
      %add3A_878 = arith.addf %add3A_868, %gather3A_877 : vector<16xf32>
      %xor3A_879 = arith.constant 4 : i32
      %xor3A_880 = vector.broadcast %xor3A_879 : i32 to vector<16xi32>
      %xor3A_881 = arith.xori %iota3A, %xor3A_880 : vector<16xi32>
      %broadcast_in_dim3A_882 = vector.shape_cast %xor3A_881 : vector<16xi32> to vector<16x1xi32>
      %gather3A_883 = vector.shape_cast %broadcast_in_dim3A_882 : vector<16x1xi32> to vector<16xi32>
      %gather3A_884 = tpu.dynamic_gather %add3A_878[%gather3A_883] in [0] : vector<16xf32>, vector<16xi32> -> vector<16xf32>
      %add3A_885 = arith.addf %add3A_878, %gather3A_884 : vector<16xf32>
      %xor3A_886 = arith.constant 2 : i32
      %xor3A_887 = vector.broadcast %xor3A_886 : i32 to vector<16xi32>
      %xor3A_888 = arith.xori %iota3A, %xor3A_887 : vector<16xi32>
      %broadcast_in_dim3A_889 = vector.shape_cast %xor3A_888 : vector<16xi32> to vector<16x1xi32>
      %gather3A_890 = vector.shape_cast %broadcast_in_dim3A_889 : vector<16x1xi32> to vector<16xi32>
      %gather3A_891 = tpu.dynamic_gather %add3A_885[%gather3A_890] in [0] : vector<16xf32>, vector<16xi32> -> vector<16xf32>
      %add3A_892 = arith.addf %add3A_885, %gather3A_891 : vector<16xf32>
      %xor3A_893 = arith.constant 1 : i32
      %xor3A_894 = vector.broadcast %xor3A_893 : i32 to vector<16xi32>
      %xor3A_895 = arith.xori %iota3A, %xor3A_894 : vector<16xi32>
      %broadcast_in_dim3A_896 = vector.shape_cast %xor3A_895 : vector<16xi32> to vector<16x1xi32>
      %gather3A_897 = vector.shape_cast %broadcast_in_dim3A_896 : vector<16x1xi32> to vector<16xi32>
      %gather3A_898 = tpu.dynamic_gather %add3A_892[%gather3A_897] in [0] : vector<16xf32>, vector<16xi32> -> vector<16xf32>
      %add3A_899 = arith.addf %add3A_892, %gather3A_898 : vector<16xf32>
      %select_n3A_900 = arith.select %eq3A_871, %add3A_899, %select_n3A_827 : vector<16xi1>, vector<16xf32>
      %add3A_901 = arith.constant 12 : i32
      %add3A_902 = arith.addi %mul3A_28, %add3A_901 : i32
      %get3A_903 = arith.index_cast %add3A_902 : i32 to index
      %get3A_904 = arith.constant 0 : index
      %get3A_905 = tpu.vector_load %arg11[%get3A_903, %get3A_904] {strides = array<i32>} : memref<512x64xf32, #tpu.memory_space<vmem>>, vector<1x16xf32>,
      %get3A_906 = vector.shape_cast %get3A_905 : vector<1x16xf32> to vector<16xf32>
      %get3A_907 = arith.index_cast %add3A_902 : i32 to index
      %get3A_908 = arith.constant 0 : index
      %get3A_909 = tpu.vector_load %arg12[%get3A_907, %get3A_908] {strides = array<i32>} : memref<512x64xf32, #tpu.memory_space<vmem>>, vector<1x16xf32>,
      %get3A_910 = vector.shape_cast %get3A_909 : vector<1x16xf32> to vector<16xf32>
      %mul3A_911 = arith.mulf %get3A_906, %get3A_910 : vector<16xf32>
      %get3A_912 = arith.index_cast %add3A_902 : i32 to index
      %get3A_913 = arith.constant 16 : index
      %get3A_914 = tpu.vector_load %arg11[%get3A_912, %get3A_913] {strides = array<i32>} : memref<512x64xf32, #tpu.memory_space<vmem>>, vector<1x16xf32>,
      %get3A_915 = vector.shape_cast %get3A_914 : vector<1x16xf32> to vector<16xf32>
      %get3A_916 = arith.index_cast %add3A_902 : i32 to index
      %get3A_917 = arith.constant 16 : index
      %get3A_918 = tpu.vector_load %arg12[%get3A_916, %get3A_917] {strides = array<i32>} : memref<512x64xf32, #tpu.memory_space<vmem>>, vector<1x16xf32>,
      %get3A_919 = vector.shape_cast %get3A_918 : vector<1x16xf32> to vector<16xf32>
      %mul3A_920 = arith.mulf %get3A_915, %get3A_919 : vector<16xf32>
      %add3A_921 = arith.addf %mul3A_911, %mul3A_920 : vector<16xf32>
      %get3A_922 = arith.index_cast %add3A_902 : i32 to index
      %get3A_923 = arith.constant 32 : index
      %get3A_924 = tpu.vector_load %arg11[%get3A_922, %get3A_923] {strides = array<i32>} : memref<512x64xf32, #tpu.memory_space<vmem>>, vector<1x16xf32>,
      %get3A_925 = vector.shape_cast %get3A_924 : vector<1x16xf32> to vector<16xf32>
      %get3A_926 = arith.index_cast %add3A_902 : i32 to index
      %get3A_927 = arith.constant 32 : index
      %get3A_928 = tpu.vector_load %arg12[%get3A_926, %get3A_927] {strides = array<i32>} : memref<512x64xf32, #tpu.memory_space<vmem>>, vector<1x16xf32>,
      %get3A_929 = vector.shape_cast %get3A_928 : vector<1x16xf32> to vector<16xf32>
      %mul3A_930 = arith.mulf %get3A_925, %get3A_929 : vector<16xf32>
      %add3A_931 = arith.addf %add3A_921, %mul3A_930 : vector<16xf32>
      %get3A_932 = arith.index_cast %add3A_902 : i32 to index
      %get3A_933 = arith.constant 48 : index
      %get3A_934 = tpu.vector_load %arg11[%get3A_932, %get3A_933] {strides = array<i32>} : memref<512x64xf32, #tpu.memory_space<vmem>>, vector<1x16xf32>,
      %get3A_935 = vector.shape_cast %get3A_934 : vector<1x16xf32> to vector<16xf32>
      %get3A_936 = arith.index_cast %add3A_902 : i32 to index
      %get3A_937 = arith.constant 48 : index
      %get3A_938 = tpu.vector_load %arg12[%get3A_936, %get3A_937] {strides = array<i32>} : memref<512x64xf32, #tpu.memory_space<vmem>>, vector<1x16xf32>,
      %get3A_939 = vector.shape_cast %get3A_938 : vector<1x16xf32> to vector<16xf32>
      %mul3A_940 = arith.mulf %get3A_935, %get3A_939 : vector<16xf32>
      %add3A_941 = arith.addf %add3A_931, %mul3A_940 : vector<16xf32>
      %eq3A_942 = arith.constant 12 : i32
      %eq3A_943 = vector.broadcast %eq3A_942 : i32 to vector<16xi32>
      %eq3A_944 = arith.cmpi eq, %iota3A, %eq3A_943 : vector<16xi32>
      %xor3A_945 = arith.constant 8 : i32
      %xor3A_946 = vector.broadcast %xor3A_945 : i32 to vector<16xi32>
      %xor3A_947 = arith.xori %iota3A, %xor3A_946 : vector<16xi32>
      %broadcast_in_dim3A_948 = vector.shape_cast %xor3A_947 : vector<16xi32> to vector<16x1xi32>
      %gather3A_949 = vector.shape_cast %broadcast_in_dim3A_948 : vector<16x1xi32> to vector<16xi32>
      %gather3A_950 = tpu.dynamic_gather %add3A_941[%gather3A_949] in [0] : vector<16xf32>, vector<16xi32> -> vector<16xf32>
      %add3A_951 = arith.addf %add3A_941, %gather3A_950 : vector<16xf32>
      %xor3A_952 = arith.constant 4 : i32
      %xor3A_953 = vector.broadcast %xor3A_952 : i32 to vector<16xi32>
      %xor3A_954 = arith.xori %iota3A, %xor3A_953 : vector<16xi32>
      %broadcast_in_dim3A_955 = vector.shape_cast %xor3A_954 : vector<16xi32> to vector<16x1xi32>
      %gather3A_956 = vector.shape_cast %broadcast_in_dim3A_955 : vector<16x1xi32> to vector<16xi32>
      %gather3A_957 = tpu.dynamic_gather %add3A_951[%gather3A_956] in [0] : vector<16xf32>, vector<16xi32> -> vector<16xf32>
      %add3A_958 = arith.addf %add3A_951, %gather3A_957 : vector<16xf32>
      %xor3A_959 = arith.constant 2 : i32
      %xor3A_960 = vector.broadcast %xor3A_959 : i32 to vector<16xi32>
      %xor3A_961 = arith.xori %iota3A, %xor3A_960 : vector<16xi32>
      %broadcast_in_dim3A_962 = vector.shape_cast %xor3A_961 : vector<16xi32> to vector<16x1xi32>
      %gather3A_963 = vector.shape_cast %broadcast_in_dim3A_962 : vector<16x1xi32> to vector<16xi32>
      %gather3A_964 = tpu.dynamic_gather %add3A_958[%gather3A_963] in [0] : vector<16xf32>, vector<16xi32> -> vector<16xf32>
      %add3A_965 = arith.addf %add3A_958, %gather3A_964 : vector<16xf32>
      %xor3A_966 = arith.constant 1 : i32
      %xor3A_967 = vector.broadcast %xor3A_966 : i32 to vector<16xi32>
      %xor3A_968 = arith.xori %iota3A, %xor3A_967 : vector<16xi32>
      %broadcast_in_dim3A_969 = vector.shape_cast %xor3A_968 : vector<16xi32> to vector<16x1xi32>
      %gather3A_970 = vector.shape_cast %broadcast_in_dim3A_969 : vector<16x1xi32> to vector<16xi32>
      %gather3A_971 = tpu.dynamic_gather %add3A_965[%gather3A_970] in [0] : vector<16xf32>, vector<16xi32> -> vector<16xf32>
      %add3A_972 = arith.addf %add3A_965, %gather3A_971 : vector<16xf32>
      %select_n3A_973 = arith.select %eq3A_944, %add3A_972, %select_n3A_900 : vector<16xi1>, vector<16xf32>
      %add3A_974 = arith.constant 13 : i32
      %add3A_975 = arith.addi %mul3A_28, %add3A_974 : i32
      %get3A_976 = arith.index_cast %add3A_975 : i32 to index
      %get3A_977 = arith.constant 0 : index
      %get3A_978 = tpu.vector_load %arg11[%get3A_976, %get3A_977] {strides = array<i32>} : memref<512x64xf32, #tpu.memory_space<vmem>>, vector<1x16xf32>,
      %get3A_979 = vector.shape_cast %get3A_978 : vector<1x16xf32> to vector<16xf32>
      %get3A_980 = arith.index_cast %add3A_975 : i32 to index
      %get3A_981 = arith.constant 0 : index
      %get3A_982 = tpu.vector_load %arg12[%get3A_980, %get3A_981] {strides = array<i32>} : memref<512x64xf32, #tpu.memory_space<vmem>>, vector<1x16xf32>,
      %get3A_983 = vector.shape_cast %get3A_982 : vector<1x16xf32> to vector<16xf32>
      %mul3A_984 = arith.mulf %get3A_979, %get3A_983 : vector<16xf32>
      %get3A_985 = arith.index_cast %add3A_975 : i32 to index
      %get3A_986 = arith.constant 16 : index
      %get3A_987 = tpu.vector_load %arg11[%get3A_985, %get3A_986] {strides = array<i32>} : memref<512x64xf32, #tpu.memory_space<vmem>>, vector<1x16xf32>,
      %get3A_988 = vector.shape_cast %get3A_987 : vector<1x16xf32> to vector<16xf32>
      %get3A_989 = arith.index_cast %add3A_975 : i32 to index
      %get3A_990 = arith.constant 16 : index
      %get3A_991 = tpu.vector_load %arg12[%get3A_989, %get3A_990] {strides = array<i32>} : memref<512x64xf32, #tpu.memory_space<vmem>>, vector<1x16xf32>,
      %get3A_992 = vector.shape_cast %get3A_991 : vector<1x16xf32> to vector<16xf32>
      %mul3A_993 = arith.mulf %get3A_988, %get3A_992 : vector<16xf32>
      %add3A_994 = arith.addf %mul3A_984, %mul3A_993 : vector<16xf32>
      %get3A_995 = arith.index_cast %add3A_975 : i32 to index
      %get3A_996 = arith.constant 32 : index
      %get3A_997 = tpu.vector_load %arg11[%get3A_995, %get3A_996] {strides = array<i32>} : memref<512x64xf32, #tpu.memory_space<vmem>>, vector<1x16xf32>,
      %get3A_998 = vector.shape_cast %get3A_997 : vector<1x16xf32> to vector<16xf32>
      %get3A_999 = arith.index_cast %add3A_975 : i32 to index
      %get3A_1000 = arith.constant 32 : index
      %get3A_1001 = tpu.vector_load %arg12[%get3A_999, %get3A_1000] {strides = array<i32>} : memref<512x64xf32, #tpu.memory_space<vmem>>, vector<1x16xf32>,
      %get3A_1002 = vector.shape_cast %get3A_1001 : vector<1x16xf32> to vector<16xf32>
      %mul3A_1003 = arith.mulf %get3A_998, %get3A_1002 : vector<16xf32>
      %add3A_1004 = arith.addf %add3A_994, %mul3A_1003 : vector<16xf32>
      %get3A_1005 = arith.index_cast %add3A_975 : i32 to index
      %get3A_1006 = arith.constant 48 : index
      %get3A_1007 = tpu.vector_load %arg11[%get3A_1005, %get3A_1006] {strides = array<i32>} : memref<512x64xf32, #tpu.memory_space<vmem>>, vector<1x16xf32>,
      %get3A_1008 = vector.shape_cast %get3A_1007 : vector<1x16xf32> to vector<16xf32>
      %get3A_1009 = arith.index_cast %add3A_975 : i32 to index
      %get3A_1010 = arith.constant 48 : index
      %get3A_1011 = tpu.vector_load %arg12[%get3A_1009, %get3A_1010] {strides = array<i32>} : memref<512x64xf32, #tpu.memory_space<vmem>>, vector<1x16xf32>,
      %get3A_1012 = vector.shape_cast %get3A_1011 : vector<1x16xf32> to vector<16xf32>
      %mul3A_1013 = arith.mulf %get3A_1008, %get3A_1012 : vector<16xf32>
      %add3A_1014 = arith.addf %add3A_1004, %mul3A_1013 : vector<16xf32>
      %eq3A_1015 = arith.constant 13 : i32
      %eq3A_1016 = vector.broadcast %eq3A_1015 : i32 to vector<16xi32>
      %eq3A_1017 = arith.cmpi eq, %iota3A, %eq3A_1016 : vector<16xi32>
      %xor3A_1018 = arith.constant 8 : i32
      %xor3A_1019 = vector.broadcast %xor3A_1018 : i32 to vector<16xi32>
      %xor3A_1020 = arith.xori %iota3A, %xor3A_1019 : vector<16xi32>
      %broadcast_in_dim3A_1021 = vector.shape_cast %xor3A_1020 : vector<16xi32> to vector<16x1xi32>
      %gather3A_1022 = vector.shape_cast %broadcast_in_dim3A_1021 : vector<16x1xi32> to vector<16xi32>
      %gather3A_1023 = tpu.dynamic_gather %add3A_1014[%gather3A_1022] in [0] : vector<16xf32>, vector<16xi32> -> vector<16xf32>
      %add3A_1024 = arith.addf %add3A_1014, %gather3A_1023 : vector<16xf32>
      %xor3A_1025 = arith.constant 4 : i32
      %xor3A_1026 = vector.broadcast %xor3A_1025 : i32 to vector<16xi32>
      %xor3A_1027 = arith.xori %iota3A, %xor3A_1026 : vector<16xi32>
      %broadcast_in_dim3A_1028 = vector.shape_cast %xor3A_1027 : vector<16xi32> to vector<16x1xi32>
      %gather3A_1029 = vector.shape_cast %broadcast_in_dim3A_1028 : vector<16x1xi32> to vector<16xi32>
      %gather3A_1030 = tpu.dynamic_gather %add3A_1024[%gather3A_1029] in [0] : vector<16xf32>, vector<16xi32> -> vector<16xf32>
      %add3A_1031 = arith.addf %add3A_1024, %gather3A_1030 : vector<16xf32>
      %xor3A_1032 = arith.constant 2 : i32
      %xor3A_1033 = vector.broadcast %xor3A_1032 : i32 to vector<16xi32>
      %xor3A_1034 = arith.xori %iota3A, %xor3A_1033 : vector<16xi32>
      %broadcast_in_dim3A_1035 = vector.shape_cast %xor3A_1034 : vector<16xi32> to vector<16x1xi32>
      %gather3A_1036 = vector.shape_cast %broadcast_in_dim3A_1035 : vector<16x1xi32> to vector<16xi32>
      %gather3A_1037 = tpu.dynamic_gather %add3A_1031[%gather3A_1036] in [0] : vector<16xf32>, vector<16xi32> -> vector<16xf32>
      %add3A_1038 = arith.addf %add3A_1031, %gather3A_1037 : vector<16xf32>
      %xor3A_1039 = arith.constant 1 : i32
      %xor3A_1040 = vector.broadcast %xor3A_1039 : i32 to vector<16xi32>
      %xor3A_1041 = arith.xori %iota3A, %xor3A_1040 : vector<16xi32>
      %broadcast_in_dim3A_1042 = vector.shape_cast %xor3A_1041 : vector<16xi32> to vector<16x1xi32>
      %gather3A_1043 = vector.shape_cast %broadcast_in_dim3A_1042 : vector<16x1xi32> to vector<16xi32>
      %gather3A_1044 = tpu.dynamic_gather %add3A_1038[%gather3A_1043] in [0] : vector<16xf32>, vector<16xi32> -> vector<16xf32>
      %add3A_1045 = arith.addf %add3A_1038, %gather3A_1044 : vector<16xf32>
      %select_n3A_1046 = arith.select %eq3A_1017, %add3A_1045, %select_n3A_973 : vector<16xi1>, vector<16xf32>
      %add3A_1047 = arith.constant 14 : i32
      %add3A_1048 = arith.addi %mul3A_28, %add3A_1047 : i32
      %get3A_1049 = arith.index_cast %add3A_1048 : i32 to index
      %get3A_1050 = arith.constant 0 : index
      %get3A_1051 = tpu.vector_load %arg11[%get3A_1049, %get3A_1050] {strides = array<i32>} : memref<512x64xf32, #tpu.memory_space<vmem>>, vector<1x16xf32>,
      %get3A_1052 = vector.shape_cast %get3A_1051 : vector<1x16xf32> to vector<16xf32>
      %get3A_1053 = arith.index_cast %add3A_1048 : i32 to index
      %get3A_1054 = arith.constant 0 : index
      %get3A_1055 = tpu.vector_load %arg12[%get3A_1053, %get3A_1054] {strides = array<i32>} : memref<512x64xf32, #tpu.memory_space<vmem>>, vector<1x16xf32>,
      %get3A_1056 = vector.shape_cast %get3A_1055 : vector<1x16xf32> to vector<16xf32>
      %mul3A_1057 = arith.mulf %get3A_1052, %get3A_1056 : vector<16xf32>
      %get3A_1058 = arith.index_cast %add3A_1048 : i32 to index
      %get3A_1059 = arith.constant 16 : index
      %get3A_1060 = tpu.vector_load %arg11[%get3A_1058, %get3A_1059] {strides = array<i32>} : memref<512x64xf32, #tpu.memory_space<vmem>>, vector<1x16xf32>,
      %get3A_1061 = vector.shape_cast %get3A_1060 : vector<1x16xf32> to vector<16xf32>
      %get3A_1062 = arith.index_cast %add3A_1048 : i32 to index
      %get3A_1063 = arith.constant 16 : index
      %get3A_1064 = tpu.vector_load %arg12[%get3A_1062, %get3A_1063] {strides = array<i32>} : memref<512x64xf32, #tpu.memory_space<vmem>>, vector<1x16xf32>,
      %get3A_1065 = vector.shape_cast %get3A_1064 : vector<1x16xf32> to vector<16xf32>
      %mul3A_1066 = arith.mulf %get3A_1061, %get3A_1065 : vector<16xf32>
      %add3A_1067 = arith.addf %mul3A_1057, %mul3A_1066 : vector<16xf32>
      %get3A_1068 = arith.index_cast %add3A_1048 : i32 to index
      %get3A_1069 = arith.constant 32 : index
      %get3A_1070 = tpu.vector_load %arg11[%get3A_1068, %get3A_1069] {strides = array<i32>} : memref<512x64xf32, #tpu.memory_space<vmem>>, vector<1x16xf32>,
      %get3A_1071 = vector.shape_cast %get3A_1070 : vector<1x16xf32> to vector<16xf32>
      %get3A_1072 = arith.index_cast %add3A_1048 : i32 to index
      %get3A_1073 = arith.constant 32 : index
      %get3A_1074 = tpu.vector_load %arg12[%get3A_1072, %get3A_1073] {strides = array<i32>} : memref<512x64xf32, #tpu.memory_space<vmem>>, vector<1x16xf32>,
      %get3A_1075 = vector.shape_cast %get3A_1074 : vector<1x16xf32> to vector<16xf32>
      %mul3A_1076 = arith.mulf %get3A_1071, %get3A_1075 : vector<16xf32>
      %add3A_1077 = arith.addf %add3A_1067, %mul3A_1076 : vector<16xf32>
      %get3A_1078 = arith.index_cast %add3A_1048 : i32 to index
      %get3A_1079 = arith.constant 48 : index
      %get3A_1080 = tpu.vector_load %arg11[%get3A_1078, %get3A_1079] {strides = array<i32>} : memref<512x64xf32, #tpu.memory_space<vmem>>, vector<1x16xf32>,
      %get3A_1081 = vector.shape_cast %get3A_1080 : vector<1x16xf32> to vector<16xf32>
      %get3A_1082 = arith.index_cast %add3A_1048 : i32 to index
      %get3A_1083 = arith.constant 48 : index
      %get3A_1084 = tpu.vector_load %arg12[%get3A_1082, %get3A_1083] {strides = array<i32>} : memref<512x64xf32, #tpu.memory_space<vmem>>, vector<1x16xf32>,
      %get3A_1085 = vector.shape_cast %get3A_1084 : vector<1x16xf32> to vector<16xf32>
      %mul3A_1086 = arith.mulf %get3A_1081, %get3A_1085 : vector<16xf32>
      %add3A_1087 = arith.addf %add3A_1077, %mul3A_1086 : vector<16xf32>
      %eq3A_1088 = arith.constant 14 : i32
      %eq3A_1089 = vector.broadcast %eq3A_1088 : i32 to vector<16xi32>
      %eq3A_1090 = arith.cmpi eq, %iota3A, %eq3A_1089 : vector<16xi32>
      %xor3A_1091 = arith.constant 8 : i32
      %xor3A_1092 = vector.broadcast %xor3A_1091 : i32 to vector<16xi32>
      %xor3A_1093 = arith.xori %iota3A, %xor3A_1092 : vector<16xi32>
      %broadcast_in_dim3A_1094 = vector.shape_cast %xor3A_1093 : vector<16xi32> to vector<16x1xi32>
      %gather3A_1095 = vector.shape_cast %broadcast_in_dim3A_1094 : vector<16x1xi32> to vector<16xi32>
      %gather3A_1096 = tpu.dynamic_gather %add3A_1087[%gather3A_1095] in [0] : vector<16xf32>, vector<16xi32> -> vector<16xf32>
      %add3A_1097 = arith.addf %add3A_1087, %gather3A_1096 : vector<16xf32>
      %xor3A_1098 = arith.constant 4 : i32
      %xor3A_1099 = vector.broadcast %xor3A_1098 : i32 to vector<16xi32>
      %xor3A_1100 = arith.xori %iota3A, %xor3A_1099 : vector<16xi32>
      %broadcast_in_dim3A_1101 = vector.shape_cast %xor3A_1100 : vector<16xi32> to vector<16x1xi32>
      %gather3A_1102 = vector.shape_cast %broadcast_in_dim3A_1101 : vector<16x1xi32> to vector<16xi32>
      %gather3A_1103 = tpu.dynamic_gather %add3A_1097[%gather3A_1102] in [0] : vector<16xf32>, vector<16xi32> -> vector<16xf32>
      %add3A_1104 = arith.addf %add3A_1097, %gather3A_1103 : vector<16xf32>
      %xor3A_1105 = arith.constant 2 : i32
      %xor3A_1106 = vector.broadcast %xor3A_1105 : i32 to vector<16xi32>
      %xor3A_1107 = arith.xori %iota3A, %xor3A_1106 : vector<16xi32>
      %broadcast_in_dim3A_1108 = vector.shape_cast %xor3A_1107 : vector<16xi32> to vector<16x1xi32>
      %gather3A_1109 = vector.shape_cast %broadcast_in_dim3A_1108 : vector<16x1xi32> to vector<16xi32>
      %gather3A_1110 = tpu.dynamic_gather %add3A_1104[%gather3A_1109] in [0] : vector<16xf32>, vector<16xi32> -> vector<16xf32>
      %add3A_1111 = arith.addf %add3A_1104, %gather3A_1110 : vector<16xf32>
      %xor3A_1112 = arith.constant 1 : i32
      %xor3A_1113 = vector.broadcast %xor3A_1112 : i32 to vector<16xi32>
      %xor3A_1114 = arith.xori %iota3A, %xor3A_1113 : vector<16xi32>
      %broadcast_in_dim3A_1115 = vector.shape_cast %xor3A_1114 : vector<16xi32> to vector<16x1xi32>
      %gather3A_1116 = vector.shape_cast %broadcast_in_dim3A_1115 : vector<16x1xi32> to vector<16xi32>
      %gather3A_1117 = tpu.dynamic_gather %add3A_1111[%gather3A_1116] in [0] : vector<16xf32>, vector<16xi32> -> vector<16xf32>
      %add3A_1118 = arith.addf %add3A_1111, %gather3A_1117 : vector<16xf32>
      %select_n3A_1119 = arith.select %eq3A_1090, %add3A_1118, %select_n3A_1046 : vector<16xi1>, vector<16xf32>
      %add3A_1120 = arith.constant 15 : i32
      %add3A_1121 = arith.addi %mul3A_28, %add3A_1120 : i32
      %get3A_1122 = arith.index_cast %add3A_1121 : i32 to index
      %get3A_1123 = arith.constant 0 : index
      %get3A_1124 = tpu.vector_load %arg11[%get3A_1122, %get3A_1123] {strides = array<i32>} : memref<512x64xf32, #tpu.memory_space<vmem>>, vector<1x16xf32>,
      %get3A_1125 = vector.shape_cast %get3A_1124 : vector<1x16xf32> to vector<16xf32>
      %get3A_1126 = arith.index_cast %add3A_1121 : i32 to index
      %get3A_1127 = arith.constant 0 : index
      %get3A_1128 = tpu.vector_load %arg12[%get3A_1126, %get3A_1127] {strides = array<i32>} : memref<512x64xf32, #tpu.memory_space<vmem>>, vector<1x16xf32>,
      %get3A_1129 = vector.shape_cast %get3A_1128 : vector<1x16xf32> to vector<16xf32>
      %mul3A_1130 = arith.mulf %get3A_1125, %get3A_1129 : vector<16xf32>
      %get3A_1131 = arith.index_cast %add3A_1121 : i32 to index
      %get3A_1132 = arith.constant 16 : index
      %get3A_1133 = tpu.vector_load %arg11[%get3A_1131, %get3A_1132] {strides = array<i32>} : memref<512x64xf32, #tpu.memory_space<vmem>>, vector<1x16xf32>,
      %get3A_1134 = vector.shape_cast %get3A_1133 : vector<1x16xf32> to vector<16xf32>
      %get3A_1135 = arith.index_cast %add3A_1121 : i32 to index
      %get3A_1136 = arith.constant 16 : index
      %get3A_1137 = tpu.vector_load %arg12[%get3A_1135, %get3A_1136] {strides = array<i32>} : memref<512x64xf32, #tpu.memory_space<vmem>>, vector<1x16xf32>,
      %get3A_1138 = vector.shape_cast %get3A_1137 : vector<1x16xf32> to vector<16xf32>
      %mul3A_1139 = arith.mulf %get3A_1134, %get3A_1138 : vector<16xf32>
      %add3A_1140 = arith.addf %mul3A_1130, %mul3A_1139 : vector<16xf32>
      %get3A_1141 = arith.index_cast %add3A_1121 : i32 to index
      %get3A_1142 = arith.constant 32 : index
      %get3A_1143 = tpu.vector_load %arg11[%get3A_1141, %get3A_1142] {strides = array<i32>} : memref<512x64xf32, #tpu.memory_space<vmem>>, vector<1x16xf32>,
      %get3A_1144 = vector.shape_cast %get3A_1143 : vector<1x16xf32> to vector<16xf32>
      %get3A_1145 = arith.index_cast %add3A_1121 : i32 to index
      %get3A_1146 = arith.constant 32 : index
      %get3A_1147 = tpu.vector_load %arg12[%get3A_1145, %get3A_1146] {strides = array<i32>} : memref<512x64xf32, #tpu.memory_space<vmem>>, vector<1x16xf32>,
      %get3A_1148 = vector.shape_cast %get3A_1147 : vector<1x16xf32> to vector<16xf32>
      %mul3A_1149 = arith.mulf %get3A_1144, %get3A_1148 : vector<16xf32>
      %add3A_1150 = arith.addf %add3A_1140, %mul3A_1149 : vector<16xf32>
      %get3A_1151 = arith.index_cast %add3A_1121 : i32 to index
      %get3A_1152 = arith.constant 48 : index
      %get3A_1153 = tpu.vector_load %arg11[%get3A_1151, %get3A_1152] {strides = array<i32>} : memref<512x64xf32, #tpu.memory_space<vmem>>, vector<1x16xf32>,
      %get3A_1154 = vector.shape_cast %get3A_1153 : vector<1x16xf32> to vector<16xf32>
      %get3A_1155 = arith.index_cast %add3A_1121 : i32 to index
      %get3A_1156 = arith.constant 48 : index
      %get3A_1157 = tpu.vector_load %arg12[%get3A_1155, %get3A_1156] {strides = array<i32>} : memref<512x64xf32, #tpu.memory_space<vmem>>, vector<1x16xf32>,
      %get3A_1158 = vector.shape_cast %get3A_1157 : vector<1x16xf32> to vector<16xf32>
      %mul3A_1159 = arith.mulf %get3A_1154, %get3A_1158 : vector<16xf32>
      %add3A_1160 = arith.addf %add3A_1150, %mul3A_1159 : vector<16xf32>
      %eq3A_1161 = arith.constant 15 : i32
      %eq3A_1162 = vector.broadcast %eq3A_1161 : i32 to vector<16xi32>
      %eq3A_1163 = arith.cmpi eq, %iota3A, %eq3A_1162 : vector<16xi32>
      %xor3A_1164 = arith.constant 8 : i32
      %xor3A_1165 = vector.broadcast %xor3A_1164 : i32 to vector<16xi32>
      %xor3A_1166 = arith.xori %iota3A, %xor3A_1165 : vector<16xi32>
      %broadcast_in_dim3A_1167 = vector.shape_cast %xor3A_1166 : vector<16xi32> to vector<16x1xi32>
      %gather3A_1168 = vector.shape_cast %broadcast_in_dim3A_1167 : vector<16x1xi32> to vector<16xi32>
      %gather3A_1169 = tpu.dynamic_gather %add3A_1160[%gather3A_1168] in [0] : vector<16xf32>, vector<16xi32> -> vector<16xf32>
      %add3A_1170 = arith.addf %add3A_1160, %gather3A_1169 : vector<16xf32>
      %xor3A_1171 = arith.constant 4 : i32
      %xor3A_1172 = vector.broadcast %xor3A_1171 : i32 to vector<16xi32>
      %xor3A_1173 = arith.xori %iota3A, %xor3A_1172 : vector<16xi32>
      %broadcast_in_dim3A_1174 = vector.shape_cast %xor3A_1173 : vector<16xi32> to vector<16x1xi32>
      %gather3A_1175 = vector.shape_cast %broadcast_in_dim3A_1174 : vector<16x1xi32> to vector<16xi32>
      %gather3A_1176 = tpu.dynamic_gather %add3A_1170[%gather3A_1175] in [0] : vector<16xf32>, vector<16xi32> -> vector<16xf32>
      %add3A_1177 = arith.addf %add3A_1170, %gather3A_1176 : vector<16xf32>
      %xor3A_1178 = arith.constant 2 : i32
      %xor3A_1179 = vector.broadcast %xor3A_1178 : i32 to vector<16xi32>
      %xor3A_1180 = arith.xori %iota3A, %xor3A_1179 : vector<16xi32>
      %broadcast_in_dim3A_1181 = vector.shape_cast %xor3A_1180 : vector<16xi32> to vector<16x1xi32>
      %gather3A_1182 = vector.shape_cast %broadcast_in_dim3A_1181 : vector<16x1xi32> to vector<16xi32>
      %gather3A_1183 = tpu.dynamic_gather %add3A_1177[%gather3A_1182] in [0] : vector<16xf32>, vector<16xi32> -> vector<16xf32>
      %add3A_1184 = arith.addf %add3A_1177, %gather3A_1183 : vector<16xf32>
      %xor3A_1185 = arith.constant 1 : i32
      %xor3A_1186 = vector.broadcast %xor3A_1185 : i32 to vector<16xi32>
      %xor3A_1187 = arith.xori %iota3A, %xor3A_1186 : vector<16xi32>
      %broadcast_in_dim3A_1188 = vector.shape_cast %xor3A_1187 : vector<16xi32> to vector<16x1xi32>
      %gather3A_1189 = vector.shape_cast %broadcast_in_dim3A_1188 : vector<16x1xi32> to vector<16xi32>
      %gather3A_1190 = tpu.dynamic_gather %add3A_1184[%gather3A_1189] in [0] : vector<16xf32>, vector<16xi32> -> vector<16xf32>
      %add3A_1191 = arith.addf %add3A_1184, %gather3A_1190 : vector<16xf32>
      %select_n3A_1192 = arith.select %eq3A_1163, %add3A_1191, %select_n3A_1119 : vector<16xi1>, vector<16xf32>
      %get3A_1193 = arith.index_cast %mul3A_28 : i32 to index
      %get3A_1194 = tpu.vector_load %arg13[%get3A_1193] {strides = array<i32>} : memref<512xf32, #tpu.memory_space<vmem>>, vector<16xf32>,
      %get3A_1195 = vector.shape_cast %get3A_1194 : vector<16xf32> to vector<16xf32>
      %get3A_1196 = arith.index_cast %mul3A_28 : i32 to index
      %get3A_1197 = tpu.vector_load %arg14[%get3A_1196] {strides = array<i32>} : memref<512xf32, #tpu.memory_space<vmem>>, vector<16xf32>,
      %get3A_1198 = vector.shape_cast %get3A_1197 : vector<16xf32> to vector<16xf32>
      %add3A_1199 = arith.addf %get3A_1195, %get3A_1198 : vector<16xf32>
      %sub3A = arith.subf %select_n3A_1192, %add3A_1199 : vector<16xf32>
      %neg3A = arith.constant 0.000000e+00 : f32
      %neg3A_1200 = vector.broadcast %neg3A : f32 to vector<16xf32>
      %neg3A_1201 = arith.subf %neg3A_1200, %sub3A : vector<16xf32>
      %exp3A = math.exp %neg3A_1201 : vector<16xf32>
      %add3A_1202 = arith.constant 1.000000e+00 : f32
      %add3A_1203 = vector.broadcast %add3A_1202 : f32 to vector<16xf32>
      %add3A_1204 = arith.addf %add3A_1203, %exp3A : vector<16xf32>
      %div3A = arith.constant 1.000000e+00 : f32
      %div3A_1205 = vector.broadcast %div3A : f32 to vector<16xf32>
      %div3A_1206 = arith.divf %div3A_1205, %add3A_1204 : vector<16xf32>
      %swap3A = arith.index_cast %mul3A_28 : i32 to index
      %swap3A_1207 = tpu.vector_load %arg15[%swap3A] {strides = array<i32>} : memref<512xf32, #tpu.memory_space<vmem>>, vector<16xf32>,
      %swap3A_1208 = vector.shape_cast %swap3A_1207 : vector<16xf32> to vector<16xf32>
      %swap3A_1209 = vector.shape_cast %div3A_1206 : vector<16xf32> to vector<16xf32>
      tpu.vector_store %arg15[%swap3A], %swap3A_1209 {strides = array<i32>} : memref<512xf32, #tpu.memory_space<vmem>>, vector<16xf32>,
    }
    %scan3A_25 = arith.constant 32 : i32
    "tpu.region"() ({
      %run_scoped3A = tpu.sem_alloc : memref<!tpu.dma_semaphore, #tpu.memory_space<semaphore_mem>>
      %dma_start3A_26 = tpu.memref_slice %arg8[%mul3A_2] : memref<16384xf32, #tpu.memory_space<hbm>> -> memref<512xf32, #tpu.memory_space<hbm>>
      %dma_start3A_27 = tpu.memref_slice %arg8[%mul3A_2] : memref<16384xf32, #tpu.memory_space<hbm>> -> memref<512xf32, #tpu.memory_space<hbm>>
      tpu.enqueue_dma source(%arg15 : memref<512xf32, #tpu.memory_space<vmem>>) target(%dma_start3A_27 : memref<512xf32, #tpu.memory_space<hbm>>) target_semaphore(%run_scoped3A : memref<!tpu.dma_semaphore, #tpu.memory_space<semaphore_mem>>)
      %dma_wait3A_28 = tpu.memref_slice %arg8[%mul3A_2] : memref<16384xf32, #tpu.memory_space<hbm>> -> memref<512xf32, #tpu.memory_space<hbm>>
      %dma_wait3A_29 = tpu.memref_slice %arg8[%mul3A_2] : memref<16384xf32, #tpu.memory_space<hbm>> -> memref<512xf32, #tpu.memory_space<hbm>>
      tpu.wait_dma2 semaphore(%run_scoped3A : memref<!tpu.dma_semaphore, #tpu.memory_space<semaphore_mem>>) src(%arg15 : memref<512xf32, #tpu.memory_space<vmem>>) dst(%dma_wait3A_29 : memref<512xf32, #tpu.memory_space<hbm>>)
      tpu.yield
    }) : () -> ()
    return
  }
}

</mosaic_0001>

<sc_bundles>
// kernel: kernel.3.cloned.1.call-start
scs
__scs_entry_jumppad:
0x0: {  	(pc) =	sbr.rel $0x88, $3  }
0x1: {  	(tag) =	ssettag $0x0;
	lr =	simm.s32 $0x1  }
0x2: {  	[smem:$0x3F9C] =	sst lr;
	_ =	strace $0xD0000000  }
0x3: {  	_ = 	snop  }
0x4: {  	_ = 	snop  }
0x5: {  	_ = 	snop  }
0x6: {  	_ = 	snop  }
0x7: {  	_ = 	snop  }
__scs_overlays_trampoline_lowered:
0x8: {  	[smem:$0x3FAB] =	sst s0  }
0x9: {  	[smem:$0x3FAC] =	sst s1  }
0xa: {  	[smem:$0x3FAD] =	sst s2  }
0xb: {  	[smem:$0x3FAE] =	sst s3  }
0xc: {  	[smem:$0x3FAF] =	sst s4  }
0xd: {  	[smem:$0x3FB0] =	sst s5  }
0xe: {  	[smem:$0x3FB1] =	sst s6  }
0xf: {  	[smem:$0x3FB2] =	sst s7  }
0x10: {  	[smem:$0x3FB3] =	sst s8  }
0x11: {  	[smem:$0x3FB4] =	sst s9;
	s0 =	simm.s32 @!p0 $0x0  }
0x12: {  	s1 =	sld [smem:$0x3F9A];
	s0 =	simm.s32 @p0 $0x1  }
0x13: {  	[smem:$0x3FB5] =	sst s0;
	s0 =	simm.s32 @!p1 $0x0  }
0x14: {  	s2 =	sld [smem:$0x3F99];
	s0 =	simm.s32 @p1 $0x1  }
0x15: {  	[smem:$0x3FB6] =	sst s0;
	s0 =	simm.s32 @!p2 $0x0  }
0x16: {  	s3 =	sld [smem:$0x3FDB];
	s0 =	simm.s32 @p2 $0x1  }
0x17: {  	s4 =	simm.s32 $0x1BF5;
	[smem:$0x3FB8] =	sst s0  }
0x18: {  	s0 =	sld [smem:$0x3F9B];
	_ =	swait.ge [sflag:s4], $0x0  }
0x19: {  	s7 =	sld [smem:$0x3F9C]  }
0x1a: {  	s8 =	sadd.s32 $0xFFFFE003, lr  }
0x1b: {  	s9 =	sadd.s32 $0xFFFFFEF7, lr;
	s5 =	simm.s32 $0xFFFFFFFF;
	p2 =	slt.u32 s8, $0xFFFFF086  }
0x1c: {  	p1 =	slt.u32 s9, $0xF7A;
	s5 =	simm.s32 @!p2 $0x0  }
0x1d: {  	s5 =	simm.s32 @p1 $0x1;
	p0 =	seq.s32 s7, s2  }
0x1e: {  	s7 =	smul.u32 @!p0 $0xF7A, s2;
	p2 =	seq.s32 @!p0 s5, $0x0  }
0x1f: {  	s9 =	smul.u32 $0xF7A, s1;
	s8 =	simm.s32 @!p0 $0x1BF5;
	p2 =	por !p2, p0  }
0x20: {  	[sflag:s8] =	ssyncset.s32 @!p0 $0xFFFFF086;
	s6 =	sadd.s32 @!p0 s3, s7;
	s7 =	simm.s32 @!p0 $0x108  }
0x21: {  	s3 =	sadd.s32 s3, s9;
	s6 =	sadd.s32 @!p0 $0x88, s6;
	s7 =	simm.s32 @p2 $0x1082  }
0x22: {  	[simem:s7], [sflag:s8] =	dma.local @!p0 [hbm:s6], $0xF7A  }
0x23: {  	s9 =	sor.u32 $0xD0000000, s2;
	s6 =	simm.s32 $0x108;
	_ =	swait.ge @!p0 [sflag:s8], $0x0  }
0x24: {  	s3 =	sadd.s32 $0x88, s3;
	s6 =	simm.s32 @!p1 $0x1082;
	[sflag:s4] =	ssyncset.s32 $0xFFFFF086  }
0x25: {  	[simem:s6], [sflag:s4] =	dma.local [hbm:s3], $0xF7A  }
0x26: {  	[smem:$0x3F9C] =	sst s1;
	(tag) =	ssettag s2;
	_ =	strace s9  }
0x27: {  	s1 =	sld [smem:$0x3FAC]  }
0x28: {  	s2 =	sld [smem:$0x3FAD]  }
0x29: {  	s4 =	sld [smem:$0x3FAF]  }
0x2a: {  	p0 =	seq.s32 s5, $0x0;
	s5 =	sld [smem:$0x3FB0]  }
0x2b: {  	s6 =	sld [smem:$0x3FB1]  }
0x2c: {  	s7 =	sld [smem:$0x3FB2]  }
0x2d: {  	s3 =	simm.s32 $0x108;
	s8 =	sld [smem:$0x3FB3]  }
0x2e: {  	s3 =	simm.s32 @!p0 $0x1082;
	s9 =	sld [smem:$0x3FB4]  }
0x2f: {  	lr =	sadd.s32 s0, s3;
	s0 =	sld [smem:$0x3FAB]  }
0x30: {  	s3 =	sld [smem:$0x3FAE]  }
0x31: {  	[smem:$0x3FB7] =	sst s10  }
0x32: {  	s10 =	sld [smem:$0x3FB5];
	_ =	sdelay $0x3  }
0x33: {  	p0 =	seq.s32 s10, $0x1;
	s10 =	sld [smem:$0x3FB7];
	_ =	sdelay $0x3  }
0x34: {  	[smem:$0x3FB7] =	sst s10  }
0x35: {  	s10 =	sld [smem:$0x3FB6];
	_ =	sdelay $0x3  }
0x36: {  	p1 =	seq.s32 s10, $0x1;
	s10 =	sld [smem:$0x3FB7];
	_ =	sdelay $0x3  }
0x37: {  	[smem:$0x3FB7] =	sst s10  }
0x38: {  	s10 =	sld [smem:$0x3FB8]  }
0x39: {  	_ = 	snop;
	(pc) =	sbr.ind lr, $3  }
0x3a: {  	_ = 	snop  }
0x3b: {  	_ = 	snop  }
0x3c: {  	p2 =	seq.s32 s10, $0x1;
	s10 =	sld [smem:$0x3FB7]  }
0x3d: {  	_ =	shalt  }
0x3e: {  	_ =	shalt  }
0x3f: {  	_ =	shalt  }
0x40: {  	_ =	shalt  }
0x41: {  	_ =	shalt  }
0x42: {  	_ =	shalt  }
0x43: {  	_ =	shalt  }
0x44: {  	_ =	shalt  }
0x45: {  	_ =	shalt  }
0x46: {  	_ =	shalt  }
0x47: {  	_ =	shalt  }
0x48: {  	_ =	shalt  }
0x49: {  	_ =	shalt  }
0x4a: {  	_ =	shalt  }
0x4b: {  	_ =	shalt  }
0x4c: {  	_ =	shalt  }
0x4d: {  	_ =	shalt  }
0x4e: {  	_ =	shalt  }
0x4f: {  	_ =	shalt  }
0x50: {  	_ =	shalt  }
0x51: {  	_ =	shalt  }
0x52: {  	_ =	shalt  }
0x53: {  	_ =	shalt  }
0x54: {  	_ =	shalt  }
0x55: {  	_ =	shalt  }
0x56: {  	_ =	shalt  }
0x57: {  	_ =	shalt  }
0x58: {  	_ =	shalt  }
0x59: {  	_ =	shalt  }
0x5a: {  	_ =	shalt  }
0x5b: {  	_ =	shalt  }
0x5c: {  	_ =	shalt  }
0x5d: {  	_ =	shalt  }
0x5e: {  	_ =	shalt  }
0x5f: {  	_ =	shalt  }
0x60: {  	_ =	shalt  }
0x61: {  	_ =	shalt  }
0x62: {  	_ =	shalt  }
0x63: {  	_ =	shalt  }
0x64: {  	_ =	shalt  }
0x65: {  	_ =	shalt  }
0x66: {  	_ =	shalt  }
0x67: {  	_ =	shalt  }
0x68: {  	_ =	shalt  }
0x69: {  	_ =	shalt  }
0x6a: {  	_ =	shalt  }
0x6b: {  	_ =	shalt  }
0x6c: {  	_ =	shalt  }
0x6d: {  	_ =	shalt  }
0x6e: {  	_ =	shalt  }
0x6f: {  	_ =	shalt  }
0x70: {  	_ =	shalt  }
0x71: {  	_ =	shalt  }
0x72: {  	_ =	shalt  }
0x73: {  	_ =	shalt  }
0x74: {  	_ =	shalt  }
0x75: {  	_ =	shalt  }
0x76: {  	_ =	shalt  }
0x77: {  	_ =	shalt  }
0x78: {  	_ =	shalt  }
0x79: {  	_ =	shalt  }
0x7a: {  	_ =	shalt  }
0x7b: {  	_ =	shalt  }
0x7c: {  	_ =	shalt  }
0x7d: {  	_ =	shalt  }
0x7e: {  	_ =	shalt  }
0x7f: {  	_ =	shalt  }
0x80: {  	_ =	shalt  }
0x81: {  	_ =	shalt  }
0x82: {  	_ =	shalt  }
0x83: {  	_ =	shalt  }
0x84: {  	_ =	shalt  }
0x85: {  	_ =	shalt  }
0x86: {  	_ =	shalt  }
0x87: {  	_ =	shalt  }
.Lfunc_end0:
.L_simem_size_0:
called_computation_lowered:
.L_overlay_start_0:
0x88: {  	s2 =	sld [smem:$0x3FD9]  }
0x89: {  	s3 =	sld [smem:$0x3FFE];
	_ =	sdelay $0x1  }
0x8a: {  	s1 =	srdreg.scid  }
0x8b: {  	s0 =	sand.u32 $0x1, s1  }
0x8c: {  	s17 =	sshll.u32 s0, $0xA;
	s2 =	sadd.s32 s3, s2  }
0x8d: {  	s2 =	sadd.s32 s2, s17  }
0x8e: {  	[smem:$0x3FC3] =	sst s2  }
0x8f: {  	_ = 	snop  }
0x90: {  	s2 =	sld [smem:$0x3FD0];
	(tm) =	ssettm $0x1  }
0x91: {  	s18 =	sld [smem:$0x3FFB];
	_ =	sdelay $0x3  }
0x92: {  	_ =	strace s18  }
0x93: {  	s3 =	sld [smem:$0x3FFC];
	_ =	sdelay $0x3  }
0x94: {  	_ =	strace s3  }
0x95: {  	s3 =	sld [smem:$0x3FFD];
	_ =	sdelay $0x3  }
0x96: {  	_ =	strace s3  }
0x97: {  	_ =	strace $0x8FFFFFFF  }
0x98: {  	s19 =	sld [smem:$0x3FDB];
	_ =	sdelay $0x1  }
0x99: {  	s4 =	simm.s32 $_scs_section_size  }
0x9a: {  	s5 =	simm.s32 $_size__tile_overlayer_lowered;
	s6 =	simm.s32 $_tile_overlayer_lowered  }
0x9b: {  	s22 =	simm.s32 $0x1BFF;
	s21 =	sshll.u32 s6, $0x1;
	s3 =	sadd.s32 s4, s19  }
0x9c: {  	s7 =	simm.s32 $0x0;
	s20 =	sshll.u32 s5, $0x1;
	s5 =	sadd.s32 s21, s3  }
0x9d: {  	[timem:s7], [sflag:s22] =	dma.local [hbm:s5], s20  }
0x9e: {  	_ =	swait.ge [sflag:s22], s20  }
0x9f: {  	s4 =	ssub.s32 $0x0, s20;
	[sflag:s22] =	ssyncset.done $0x0  }
0xa0: {  	[sflag:s22] =	ssyncadd.s32 s4;
	_ =	sdelay $0x1  }
0xa1: {  	s23 =	simm.s32 $0x1B8B  }
0xa2: {  	_ =	swait.ge [sflag:s23], $0x1  }
0xa3: {  	[sflag:s23] =	ssyncset.done $0x0  }
0xa4: {  	s25 =	simm.s32 $0x1B8E;
	s24 =	sld [smem:$0x3FFE];
	[sflag:s23] =	ssyncadd.s32 $0xFFFFFFFF  }
0xa5: {  	s26 =	simm.s32 $execute0_lowered;
	[smem:$0x3FD2] =	sst s25  }
0xa6: {  	s5 =	sshll.u32 s26, $0x1;
	_ =	strace $0x80000046;
	[dreg:$0x1] =	wrdreg $0xFFFFFFFF  }
0xa7: {  	s28 =	simm.s32 $_size_execute0_lowered;
	s3 =	sadd.s32 s3, s5;
	[dreg:$0x0] =	wrdreg $0x0  }
0xa8: {  	s5 =	sshll.u32 s28, $0x1;
	[dreg:$0x2] =	wrdreg s3  }
0xa9: {  	[dreg:$0x3] =	wrdreg s5  }
0xaa: {  	[dreg:$0x4] =	wrdreg $0xC0  }
0xab: {  	_ =	task [dreg:s7], $0x5FFFF  }
0xac: {  	[dreg:$0x1] =	wrdreg $0xFFFFFFFF  }
0xad: {  	[dreg:$0x0] =	wrdreg $0x60  }
0xae: {  	[dreg:$0x2] =	wrdreg s24  }
0xaf: {  	[dreg:$0x3] =	wrdreg s2  }
0xb0: {  	[dreg:$0x4] =	wrdreg $0x9  }
0xb1: {  	_ =	task.clear_ibuf [dreg:s7], $0x5FFFF;
	_ =	strace $0x90000046  }
0xb2: {  	s29 =	simm.s32 $0x9;
	_ =	strace $0x80000048  }
0xb3: {  	_ =	swait.ge [sflag:s29], $0x1  }
0xb4: {  	[sflag:s29] =	ssyncadd.s32 $0xFFFFFFFF  }
0xb5: {  	_ =	strace $0x90000048  }
0xb6: {  	_ =	sfence  }
0xb7: {  	s30 =	sld [smem:$0x0];
	_ =	sdelay $0x2  }
0xb8: {  	s31 =	sshll.u32 s1, $0xD;
	s1 =	sshrl.u32 s1, $0x2  }
0xb9: {  	s3 =	sand.u32 $0x4000, s31;
	s1 =	sadd.s32 s1, s30  }
0xba: {  	s0 =	sor.u32 s3, s0;
	s1 =	sshll.u32 s1, $0x11  }
0xbb: {  	s0 =	sor.u32 s1, s0  }
0xbc: {  	s0 =	sadd.s32 $0x8F2B, s0  }
0xbd: {  	[sflag:s0] =	ssyncadd.remote.s32 $0x1  }
0xbe: {  	_ =	sfence.sel $0xFFFF  }
0xbf: {  	[dreg:$0x0] =	wrdreg $0xFFFFFFFF;
	(pc) =	sbr.abs _section_cstart, $3  }
0xc0: {  	[dreg:$0x1] =	wrdreg $0xFFFFFFFF  }
0xc1: {  	_ =	task.clear_ibuf [dreg:s7], $0x2FFFF;
	_ =	strace $0x9FFFFFFF  }
0xc2: {  	(tm) =	ssettm $0x7FFFFFFF  }
0xc3: {  	_ =	shalt  }
tec
execute0_lowered:
.L_overlay_start_1:
0x0: {  	(tag) =	ssettag $0x1  }
0x1: {  	v0 =	vimm.s32 $0xFEDCBA98;
	v1 =	vimm.s32 $0x76543210  }
0x2: {  	v2 =	vimm.s32 $0xBA98FEDC;
	v3 =	vimm.s32 $0x32107654;
	v4 =	vimm.s32 $0xDCFE98BA  }
0x3: {  	s6 =	rddreg [dreg:$0x0];
	v5 =	vimm.s32 $0x54761032;
	v6 =	vimm.s32 $0xEFCDAB89;
	v7 =	vimm.s32 $0x67452301  }
0x4: {  	s9 =	rddreg [dreg:$0x1];
	vm0 =	vmmov $0x1;
	vm1 =	vmmov $0x3;
	vm2 =	vmmov $0x7  }
0x5: {  	s0 =	rddreg [dreg:$0x2];
	vm3 =	vmmov $0xf;
	vm4 =	vmmov $0x1f;
	vm5 =	vmmov $0x3f  }
0x6: {  	s3 =	srdreg.scid;
	s2 =	simm.s32 $0x0;
	s1 =	stileid.u32;
	vm6 =	vmmov $0x7f;
	vm7 =	vmmov $0xff;
	vm8 =	vmmov $0x1ff  }
0x7: {  	s12 =	simm.s32 $0x200;
	s13 =	simm.s32 $0x400;
	s14 =	simm.s32 $0x8400;
	vm9 =	vmmov $0x3ff;
	vm10 =	vmmov $0x7ff;
	vm11 =	vmmov $0xfff  }
0x8: {  	s15 =	simm.s32 $0x10400;
	s16 =	simm.s32 $0x10600;
	s17 =	simm.s32 $0x1;
	v0 =	vunpack.c.l.s4.s8 v0;
	v1 =	vunpack.c.l.s4.s8 v1;
	v2 =	vunpack.c.l.s4.s8 v2  }
0x9: {  	s18 =	simm.s32 $0x2;
	s19 =	simm.s32 $0x3;
	s20 =	simm.s32 $0x4;
	v3 =	vunpack.c.l.s4.s8 v3;
	v4 =	vunpack.c.l.s4.s8 v4;
	v5 =	vunpack.c.l.s4.s8 v5  }
0xa: {  	s21 =	simm.s32 $0x10800;
	s22 =	simm.s32 $0x0;
	v6 =	vunpack.c.l.s4.s8 v6;
	v7 =	vunpack.c.l.s4.s8 v7;
	s4 =	sand.u32 $0x1, s3;
	v0 =	vunpack.c.0.s8.s32 v0  }
0xb: {  	[smem:$0x7FF] =	sst s2;
	s31 =	sshll.u32 s1, $0x7;
	s3 =	sadd.s32 $0x24CC00, s6;
	v2 =	vunpack.c.0.s8.s32 v2;
	v3 =	vunpack.c.0.s8.s32 v3;
	v4 =	vunpack.c.0.s8.s32 v4  }
0xc: {  	s5 =	sshll.u32 s4, $0x6;
	_ =	strace $0x80000047;
	s7 =	ssub.s32 $0x2, s4;
	v5 =	vunpack.c.0.s8.s32 v5;
	v6 =	vunpack.c.0.s8.s32 v6;
	v7 =	vunpack.c.0.s8.s32 v7  }
0xd: {  	vm12 =	vmmov $0x1fff;
	s4 =	sadd.s32 $0x189600, s6;
	s10 =	sor.u32 s5, s31;
	v1 =	vunpack.c.0.s8.s32 v1;
	s5 =	sadd.s32 $0x5E00, s6;
	v2 =	vcombine.low v3, v2  }
0xe: {  	s11 =	sshrl.u32 s7, $0x1;
	s8 =	sadd.s32 s10, s6;
	s6 =	sadd.s32 $0x2C00, s6;
	v3 =	vcombine.low v5, v4;
	v4 =	vcombine.low v7, v6;
	v0 =	vand.u32 $0xF, v0  }
0xf: {  	vm13 =	vmmov $0x3fff;
	vm14 =	vmmov $0x7fff;
	s11 =	ssub.s32 s7, s11;
	s9 =	sadd.s32 s9, s10;
	s7 =	sadd.s32 $0x2400, s8;
	v0 =	vcombine.low v0, v1  }
0x10: {  	s8 =	sadd.s32 $0x1C00, s8;
	s10 =	smax.u32 s11, $0x1;
	s11 =	simm.s32 $0x5;
	v1 =	vand.u32 $0xF, v2;
	v2 =	vand.u32 $0xF, v3;
	v3 =	vand.u32 $0xF, v4  }
.LBB2_1:
0x11: {  	[tilespmem:s2], [sflag:$0x5] =	stream.linear.gather [hbm4b:s7+s2], $0x200, $0x38;
	[tilespmem:$0x10A00] =	vst v63  }
0x12: {  	_ =	swait.ge [sflag:s11], $0x200  }
0x13: {  	[sflag:s11] =	ssyncset.done $0x0  }
0x14: {  	[sflag:s11] =	ssyncadd.s32 $0xFFFFFE00  }
0x15: {  	[tilespmem:s12], [sflag:$0x5] =	stream.linear.gather [hbm4b:s8+s2], $0x200, $0x38;
	[tilespmem:$0x10A00] =	vst v63  }
0x16: {  	_ =	swait.ge [sflag:s11], $0x200  }
0x17: {  	[sflag:s11] =	ssyncset.done $0x0  }
0x18: {  	[sflag:s11] =	ssyncadd.s32 $0xFFFFFE00  }
0x19: {  	[tilespmem:s13], [sflag:$0x1] =	stream.indirect.gather [hbm4b:s3+s12], $0x40, s2, s12, $0xb8;
	[tilespmem:$0x10A00] =	vst v63  }
0x1a: {  	_ = 	snop  }
0x1b: {  	[tilespmem:s14], [sflag:$0x2] =	stream.indirect.gather [hbm4b:s4+s12], $0x40, s12, s12, $0xb8;
	[tilespmem:$0x10A00] =	vst v63  }
0x1c: {  	_ = 	snop  }
0x1d: {  	[tilespmem:s15], [sflag:$0x3] =	stream.indirect.gather [hbm4b:s5+s12], $0x1, s2, s12, $0xb8;
	[tilespmem:$0x10A00] =	vst v63  }
0x1e: {  	_ = 	snop  }
0x1f: {  	[tilespmem:s16], [sflag:$0x4] =	stream.indirect.gather [hbm4b:s6+s12], $0x1, s12, s12, $0xb8;
	[tilespmem:$0x10A00] =	vst v63  }
0x20: {  	_ =	swait.ge [sflag:s17], $0x8000  }
0x21: {  	[sflag:s17] =	ssyncset.done $0x0  }
0x22: {  	[sflag:s17] =	ssyncadd.s32 $0xFFFF8000  }
0x23: {  	_ =	swait.ge [sflag:s18], $0x8000  }
0x24: {  	[sflag:s18] =	ssyncset.done $0x0  }
0x25: {  	[sflag:s18] =	ssyncadd.s32 $0xFFFF8000  }
0x26: {  	_ =	swait.ge [sflag:s19], $0x200  }
0x27: {  	[sflag:s19] =	ssyncset.done $0x0  }
0x28: {  	[sflag:s19] =	ssyncadd.s32 $0xFFFFFE00  }
0x29: {  	_ =	swait.ge [sflag:s20], $0x200  }
0x2a: {  	[sflag:s20] =	ssyncset.done $0x0  }
0x2b: {  	s23 =	simm.s32 $0x8600;
	[sflag:s20] =	ssyncadd.s32 $0xFFFFFE00  }
0x2c: {  	s24 =	simm.s32 $0x600;
	v12 =	vld [tilespmem:s23+$0x1F0]  }
0x2d: {  	v32 =	vld [tilespmem:s24+$0x1F0]  }
0x2e: {  	v14 =	vld [tilespmem:s23+$0x1E0]  }
0x2f: {  	v18 =	vld [tilespmem:s24+$0x1E0]  }
0x30: {  	v4 =	vld [tilespmem:s23+$0x130]  }
0x31: {  	v10 =	vld [tilespmem:s23+$0x170]  }
0x32: {  	v29 =	vld [tilespmem:s24+$0x170]  }
0x33: {  	v27 =	vld [tilespmem:s23+$0x150]  }
0x34: {  	v30 =	vld [tilespmem:s24+$0x150]  }
0x35: {  	v16 =	vld [tilespmem:s23+$0x120]  }
0x36: {  	v22 =	vld [tilespmem:s24+$0x120]  }
0x37: {  	v13 =	vld [tilespmem:s23+$0x110]  }
0x38: {  	v21 =	vld [tilespmem:s24+$0x110]  }
0x39: {  	v7 =	vld [tilespmem:s23+$0xE0]  }
0x3a: {  	v8 =	vld [tilespmem:s24+$0xA0]  }
0x3b: {  	v31 =	vld [tilespmem:s23+$0xD0]  }
0x3c: {  	v33 =	vld [tilespmem:s24+$0xD0]  }
0x3d: {  	v9 =	vld [tilespmem:s23+$0xC0]  }
0x3e: {  	v23 =	vld [tilespmem:s23+$0xFFFFFFF0]  }
0x3f: {  	v25 =	vld [tilespmem:s24+$0xFFFFFFF0]  }
0x40: {  	v20 =	vld [tilespmem:s23+$0x90]  }
0x41: {  	v26 =	vld [tilespmem:s23+$0xFFFFFE40]  }
0x42: {  	v28 =	vld [tilespmem:s24+$0xFFFFFE40]  }
0x43: {  	v39 =	vld [tilespmem:s23+$0x70]  }
0x44: {  	v40 =	vld [tilespmem:s24+$0x70]  }
0x45: {  	v41 =	vld [tilespmem:s23+$0x60]  }
0x46: {  	v42 =	vld [tilespmem:s24+$0x60]  }
0x47: {  	v34 =	vld [tilespmem:s24+$0x90]  }
0x48: {  	v11 =	vld [tilespmem:s23+$0x80]  }
0x49: {  	v43 =	vld [tilespmem:s24+$0x50]  }
0x4a: {  	v44 =	vld [tilespmem:s23+$0x50]  }
0x4b: {  	v45 =	vld [tilespmem:s23+$0x40]  }
0x4c: {  	v46 =	vld [tilespmem:s24+$0x40]  }
0x4d: {  	v15 =	vld [tilespmem:s23+$0x20]  }
0x4e: {  	v37 =	vld [tilespmem:s23+$0xFFFFFE10]  }
0x4f: {  	v38 =	vld [tilespmem:s24+$0xFFFFFE10]  }
0x50: {  	v35 =	vld [tilespmem:s23+$0x10]  }
0x51: {  	v36 =	vld [tilespmem:s24+$0x10]  }
0x52: {  	v17 =	vld [tilespmem:s23+$0x0]  }
0x53: {  	v47 =	vld [tilespmem:s23+$0xFFFFFFD0]  }
0x54: {  	v48 =	vld [tilespmem:s24+$0xFFFFFFD0]  }
0x55: {  	v19 =	vld [tilespmem:s23+$0xFFFFFFC0]  }
0x56: {  	v49 =	vld [tilespmem:s24+$0xFFFFFEF0]  }
0x57: {  	v50 =	vld [tilespmem:s23+$0xFFFFFFB0]  }
0x58: {  	v51 =	vld [tilespmem:s24+$0xFFFFFFB0]  }
0x59: {  	v52 =	vld [tilespmem:s23+$0xFFFFFFA0]  }
0x5a: {  	v53 =	vld [tilespmem:s24+$0xFFFFFFA0]  }
0x5b: {  	v54 =	vld [tilespmem:s23+$0xFFFFFF90]  }
0x5c: {  	v55 =	vld [tilespmem:s24+$0xFFFFFF90]  }
0x5d: {  	v56 =	vld [tilespmem:s23+$0xFFFFFF80]  }
0x5e: {  	v57 =	vld [tilespmem:s24+$0xFFFFFF80]  }
0x5f: {  	v24 =	vld [tilespmem:s23+$0xFFFFFEB0]  }
0x60: {  	v58 =	vld [tilespmem:s23+$0xFFFFFF70]  }
0x61: {  	v59 =	vld [tilespmem:s24+$0xFFFFFF70]  }
0x62: {  	v60 =	vld [tilespmem:s23+$0xFFFFFF60]  }
0x63: {  	v61 =	vld [tilespmem:s24+$0xFFFFFF60]  }
0x64: {  	v62 =	vld [tilespmem:s23+$0xFFFFFF50]  }
0x65: {  	v63 =	vld [tilespmem:s24+$0xFFFFFF50]  }
0x66: {  	v5 =	vld [tilespmem:s23+$0xFFFFFF40]  }
0x67: {  	v6 =	vld [tilespmem:s24+$0xFFFFFF30]  }
0x68: {  	[tilespmem:$0x1FFF0] =	vst v4;
	v4 =	vld [tilespmem:s23+$0x190]  }
0x69: {  	v43 =	vmul.f32 v44, v43;
	v44 =	vmul.f32 v45, v46;
	v45 =	vld [tilespmem:s23+$0xFFFFFF20]  }
0x6a: {  	v41 =	vmul.f32 v41, v42;
	v42 =	vld [tilespmem:s23+$0xFFFFFE30]  }
0x6b: {  	v46 =	vmul.f32 v56, v57;
	v57 =	vmul.f32 v52, v53;
	v52 =	vld [tilespmem:s24+$0xFFFFFF10]  }
0x6c: {  	v50 =	vmul.f32 v50, v51;
	v51 =	vld [tilespmem:s24+$0xFFFFFF00]  }
0x6d: {  	[tilespmem:$0x1FFE0] =	vst v4;
	v4 =	vld [tilespmem:s23+$0x160]  }
0x6e: {  	v53 =	vld [tilespmem:s24+$0xFFFFFEA0]  }
0x6f: {  	v47 =	vmul.f32 v47, v48;
	v48 =	vld [tilespmem:s23+$0xFFFFFE90]  }
0x70: {  	v12 =	vmul.f32 v12, v32;
	v32 =	vld [tilespmem:s23+$0xFFFFFE60]  }
0x71: {  	v56 =	vld [tilespmem:s24+$0xFFFFFE00]  }
0x72: {  	v27 =	vmul.f32 v27, v30;
	[tilespmem:$0x1FFD0] =	vst v4;
	v4 =	vld [tilespmem:s24+$0xFFFFFF40]  }
0x73: {  	v30 =	vmul.f32 v35, v36;
	v36 =	vld [tilespmem:s24+$0xF0];
	v43 =	vadd.f32 v43, v44;
	v44 =	vmul.f32 v54, v55  }
0x74: {  	v54 =	vld [tilespmem:s23+$0xFFFFFF30]  }
0x75: {  	v55 =	vld [tilespmem:s23+$0xFFFFFE70];
	v44 =	vadd.f32 v44, v46  }
0x76: {  	v39 =	vmul.f32 v39, v40;
	v41 =	vadd.f32 v41, v43;
	v46 =	vld [tilespmem:s23+$0xFFFFFF10]  }
0x77: {  	v63 =	vmul.f32 v62, v63;
	v43 =	vadd.f32 v57, v44;
	v44 =	vld [tilespmem:s23+$0xFFFFFF00];
	v4 =	vmul.f32 v5, v4  }
0x78: {  	v39 =	vadd.f32 v39, v41;
	v5 =	vld [tilespmem:s24+$0xFFFFFF20]  }
0x79: {  	v61 =	vmul.f32 v60, v61;
	v62 =	vmul.f32 v58, v59;
	v57 =	vld [tilespmem:s24+$0xFFFFFEC0];
	v4 =	vadd.f32 v63, v4  }
0x7a: {  	v6 =	vmul.f32 v54, v6;
	v54 =	vld [tilespmem:s23+$0xFFFFFE80];
	v59 =	vperm.xlane v39, v0;
	v63 =	vadd.f32 v50, v43  }
0x7b: {  	v43 =	vld [tilespmem:s23+$0xFFFFFEA0];
	v4 =	vadd.f32 v61, v4  }
0x7c: {  	v39 =	vadd.f32 v39, v59;
	v50 =	vld [tilespmem:s23+$0xFFFFFEF0];
	v60 =	vperm.xlane v63, v0  }
0x7d: {  	v44 =	vmul.f32 v44, v51;
	v5 =	vmul.f32 v45, v5;
	v45 =	vld [tilespmem:s23+$0xFFFFFED0];
	v4 =	vadd.f32 v62, v4  }
0x7e: {  	v40 =	vadd.f32 v63, v60;
	v62 =	vmul.f32 v46, v52;
	v46 =	vld [tilespmem:s23+$0xFFFFFEE0];
	v63 =	vperm.xlane v39, v1  }
0x7f: {  	v60 =	vld [tilespmem:s24+$0xFFFFFEE0];
	v61 =	vperm.xlane v4, v0  }
0x80: {  	v52 =	vld [tilespmem:s24+$0xFFFFFFC0];
	v41 =	vadd.f32 v62, v44;
	v39 =	vadd.f32 v39, v63  }
0x81: {  	v14 =	vmul.f32 v14, v18;
	v44 =	vld [tilespmem:s24+$0xFFFFFED0];
	v4 =	vadd.f32 v4, v61;
	v61 =	vperm.xlane v40, v1  }
0x82: {  	v43 =	vmul.f32 v43, v53;
	v53 =	vld [tilespmem:s23+$0xFFFFFE20];
	v5 =	vadd.f32 v5, v41;
	v63 =	vperm.xlane v39, v2  }
0x83: {  	v18 =	vmul.f32 v10, v29;
	v22 =	vmul.f32 v16, v22;
	v41 =	vld [tilespmem:s23+$0xFFFFFEC0];
	v40 =	vadd.f32 v40, v61  }
0x84: {  	v5 =	vadd.f32 v6, v5;
	v6 =	vadd.f32 v39, v63;
	v39 =	vmul.f32 v50, v49;
	v50 =	vld [tilespmem:s24+$0xFFFFFE90]  }
0x85: {  	v31 =	vmul.f32 v31, v33;
	v19 =	vmul.f32 v19, v52;
	v49 =	vld [tilespmem:s24+$0xFFFFFEB0]  }
0x86: {  	v44 =	vmul.f32 v45, v44;
	v45 =	vld [tilespmem:s24+$0xFFFFFE60];
	v58 =	vperm.xlane v40, v2  }
0x87: {  	v62 =	vperm.xlane v4, v1;
	v19 =	vadd.f32 v47, v19;
	v47 =	vld [tilespmem:s24+$0xC0];
	v61 =	vperm.xlane v6, v3  }
0x88: {  	v46 =	vmul.f32 v46, v60;
	v60 =	vperm.xlane v5, v0;
	v40 =	vadd.f32 v40, v58;
	v58 =	vld [tilespmem:s23+$0xFFFFFE50]  }
0x89: {  	v21 =	vmul.f32 v13, v21;
	v4 =	vadd.f32 v4, v62;
	v10 =	vadd.f32 v6, v61;
	v6 =	vld [tilespmem:s23+$0xFFFFFE00]  }
0x8a: {  	v23 =	vmul.f32 v23, v25;
	v41 =	vmul.f32 v41, v57;
	v5 =	vadd.f32 v5, v60;
	v60 =	vld [tilespmem:s24+$0xFFFFFE80]  }
0x8b: {  	v59 =	vperm.xlane v4, v2;
	v24 =	vmul.f32 v24, v49;
	v49 =	vld [tilespmem:s23+$0xA0]  }
0x8c: {  	v41 =	vadd.f32 v44, v41;
	v48 =	vmul.f32 v48, v50;
	v44 =	vmul.f32 v37, v38;
	v38 =	vld [tilespmem:s24+$0x160]  }
0x8d: {  	v4 =	vadd.f32 v4, v59;
	v62 =	vperm.xlane v40, v3;
	v57 =	vperm.xlane v5, v1;
	v59 =	vld [tilespmem:s24+$0xFFFFFE50]  }
0x8e: {  	v50 =	vmul.f32 v32, v45;
	v45 =	vld [tilespmem:s24+$0x30];
	v9 =	vmul.f32 v9, v47  }
0x8f: {  	v26 =	vmul.f32 v26, v28;
	v41 =	vadd.f32 v46, v41;
	v46 =	vld [tilespmem:s24+$0xFFFFFE30];
	v5 =	vadd.f32 v5, v57  }
0x90: {  	v63 =	vperm.xlane v4, v3;
	v13 =	vadd.f32 v40, v62;
	v62 =	vld [tilespmem:s24+$0xFFFFFE20];
	v9 =	vadd.f32 v31, v9  }
0x91: {  	v39 =	vadd.f32 v39, v41;
	v6 =	vmul.f32 v6, v56;
	v51 =	vmul.f32 v54, v60;
	v56 =	vld [tilespmem:s24+$0x0]  }
0x92: {  	v41 =	vld [tilespmem:s24+$0x80];
	v61 =	vperm.xlane v5, v2;
	v16 =	vadd.f32 v4, v63;
	v4 =	vmul.f32 v20, v34  }
0x93: {  	v63 =	vld [tilespmem:s24+$0xFFFFFE70];
	v40 =	vperm.xlane v39, v0;
	v29 =	vmul.f32 v58, v59;
	v6 =	vadd.f32 v44, v6  }
0x94: {  	v60 =	vld [tilespmem:s24+$0x20];
	v8 =	vmul.f32 v49, v8;
	v57 =	vadd.f32 v48, v51;
	v5 =	vadd.f32 v5, v61  }
0x95: {  	v58 =	vld [tilespmem:s24+$0xFFFFFFE0];
	v59 =	vmul.f32 v42, v46;
	v28 =	vadd.f32 v39, v40;
	v26 =	vadd.f32 v29, v26  }
0x96: {  	v25 =	vmul.f32 v53, v62;
	v61 =	vadd.f32 v43, v57;
	v62 =	vld [tilespmem:s23+$0xFFFFFFE0];
	v17 =	vmul.f32 v17, v56  }
0x97: {  	v43 =	vld [tilespmem:s23+$0x30];
	v11 =	vmul.f32 v11, v41;
	v54 =	vperm.xlane v28, v1;
	v26 =	vadd.f32 v50, v26  }
0x98: {  	v51 =	vld [tilespmem:s24+$0xE0];
	v20 =	vmul.f32 v55, v63;
	v6 =	vadd.f32 v25, v6;
	v24 =	vadd.f32 v24, v61  }
0x99: {  	v57 =	vld [tilespmem:s24+$0xB0];
	v63 =	vperm.xlane v5, v3;
	v17 =	vadd.f32 v30, v17;
	v4 =	vadd.f32 v4, v11  }
0x9a: {  	v15 =	vmul.f32 v15, v60;
	v60 =	vld [tilespmem:s24+$0x140];
	v28 =	vadd.f32 v28, v54;
	v20 =	vadd.f32 v20, v26  }
0x9b: {  	v55 =	vld [tilespmem:s23+$0xB0];
	v6 =	vadd.f32 v59, v6;
	v46 =	vperm.xlane v24, v0;
	v5 =	vadd.f32 v5, v63  }
0x9c: {  	v59 =	vld [tilespmem:s23+$0x140];
	v29 =	vmul.f32 v62, v58;
	v15 =	vadd.f32 v15, v17;
	v56 =	vmul.f32 v43, v45  }
0x9d: {  	v47 =	vld [tilespmem:s24+$0x130];
	v4 =	vadd.f32 v8, v4;
	v40 =	vperm.xlane v28, v2;
	v42 =	vperm.xlane v20, v0  }
0x9e: {  	v53 =	vld [tilespmem:s23+$0x100];
	v44 =	vperm.xlane v6, v0;
	v24 =	vadd.f32 v24, v46;
	v19 =	vadd.f32 v29, v19  }
0x9f: {  	v7 =	vmul.f32 v7, v51;
	v58 =	vld [tilespmem:s24+$0x100];
	v15 =	vadd.f32 v56, v15;
	v25 =	vadd.f32 v28, v40  }
0xa0: {  	v49 =	vld [tilespmem:s23+$0x1A0];
	v26 =	vmul.f32 v55, v57;
	v20 =	vadd.f32 v20, v42;
	v6 =	vadd.f32 v6, v44  }
0xa1: {  	v51 =	vld [tilespmem:s24+$0x1A0];
	v54 =	vperm.xlane v24, v1;
	v19 =	vadd.f32 v23, v19;
	v23 =	vmul.f32 v59, v60  }
0xa2: {  	v63 =	vld [tilespmem:s23+$0xF0];
	v7 =	vadd.f32 v7, v9;
	v46 =	vperm.xlane v15, v0;
	v48 =	vperm.xlane v25, v3  }
0xa3: {  	v45 =	vld [tilespmem:s24+$0x180];
	v4 =	vadd.f32 v26, v4;
	v50 =	vperm.xlane v20, v1;
	v52 =	vperm.xlane v6, v1  }
0xa4: {  	v42 =	vld [tilespmem:s23+$0x180];
	v24 =	vadd.f32 v24, v54;
	v11 =	vmul.f32 v53, v58;
	v35 =	vperm.xlane v19, v0  }
0xa5: {  	v40 =	vld [tilespmem:s24+$0x190];
	v23 =	vadd.f32 v27, v23;
	v8 =	vadd.f32 v15, v46;
	v57 =	vperm.xlane v4, v0  }
0xa6: {  	v59 =	vld [tilespmem:$0x1FFF0];
	v15 =	vmul.f32 v49, v51;
	v25 =	vadd.f32 v25, v48;
	v6 =	vadd.f32 v6, v52  }
0xa7: {  	v54 =	vld [tilespmem:s23+$0x1D0];
	v20 =	vadd.f32 v20, v50;
	v29 =	vperm.xlane v24, v2;
	v48 =	vmul.f32 v63, v36  }
0xa8: {  	v50 =	vld [tilespmem:$0x1FFD0];
	v11 =	vadd.f32 v21, v11;
	v19 =	vadd.f32 v19, v35;
	v55 =	vperm.xlane v8, v1  }
0xa9: {  	v52 =	vld [tilespmem:$0x1FFE0];
	v28 =	vmul.f32 v42, v45;
	v4 =	vadd.f32 v4, v57;
	v61 =	vperm.xlane v6, v2  }
0xaa: {  	v58 =	vld [tilespmem:s24+$0x1D0];
	v62 =	vperm.xlane v20, v2;
	v24 =	vadd.f32 v24, v29;
	v7 =	vadd.f32 v48, v7  }
0xab: {  	v30 =	vmul.f32 v59, v47;
	v11 =	vadd.f32 v22, v11;
	v44 =	vperm.xlane v19, v1  }
0xac: {  	v8 =	vadd.f32 v8, v55;
	v35 =	vperm.xlane v4, v1;
	v6 =	vadd.f32 v6, v61  }
0xad: {  	v34 =	vld [tilespmem:s23+$0x1B0];
	v37 =	vadd.f32 v20, v62;
	v39 =	vperm.xlane v24, v3;
	v60 =	vperm.xlane v7, v0  }
0xae: {  	v56 =	vld [tilespmem:s24+$0x1C0];
	v11 =	vadd.f32 v30, v11;
	v20 =	vmul.f32 v50, v38;
	v17 =	vmul.f32 v52, v40  }
0xaf: {  	v61 =	vld [tilespmem:s23+$0x1C0];
	v19 =	vadd.f32 v19, v44;
	v63 =	vperm.xlane v8, v2;
	v38 =	vmul.f32 v54, v58  }
0xb0: {  	v36 =	vld [tilespmem:s24+$0x1B0];
	v4 =	vadd.f32 v4, v35;
	v41 =	vperm.xlane v6, v3;
	v24 =	vadd.f32 v24, v39  }
0xb1: {  	v43 =	vperm.xlane v37, v3;
	v7 =	vadd.f32 v7, v60;
	v20 =	vadd.f32 v20, v23  }
0xb2: {  	v53 =	vperm.xlane v19, v2;
	v8 =	vadd.f32 v8, v63;
	v40 =	vadd.f32 v17, v28  }
0xb3: {  	v44 =	vperm.xlane v4, v2;
	v9 =	vadd.f32 v37, v43;
	v37 =	vperm.xlane v7, v1  }
0xb4: {  	v6 =	vadd.f32 v6, v41;
	v41 =	vperm.xlane v11, v0;
	v39 =	vmul.f32 v61, v56  }
0xb5: {  	v43 =	vmul.f32 v34, v36;
	v19 =	vadd.f32 v19, v53;
	v18 =	vadd.f32 v18, v20  }
0xb6: {  	v42 =	vperm.xlane v8, v3;
	v4 =	vadd.f32 v4, v44;
	v23 =	vadd.f32 v38, v39  }
0xb7: {  	v6 =	vsel vm0, v6, v9;
	v7 =	vadd.f32 v7, v37;
	v9 =	vadd.f32 v15, v40  }
0xb8: {  	v11 =	vadd.f32 v11, v41;
	v62 =	vperm.xlane v19, v3;
	v14 =	vadd.f32 v14, v23  }
0xb9: {  	v6 =	vsel vm1, v6, v24;
	v8 =	vadd.f32 v8, v42;
	v9 =	vadd.f32 v43, v9  }
0xba: {  	v46 =	vperm.xlane v18, v0;
	v51 =	vperm.xlane v4, v3;
	v12 =	vadd.f32 v12, v14  }
0xbb: {  	v45 =	vperm.xlane v7, v2;
	v6 =	vsel vm2, v6, v25;
	v47 =	vperm.xlane v9, v0  }
0xbc: {  	v5 =	vsel vm3, v6, v5;
	v6 =	vadd.f32 v18, v46;
	v48 =	vperm.xlane v12, v0  }
0xbd: {  	v49 =	vperm.xlane v11, v1;
	v19 =	vadd.f32 v19, v62;
	v9 =	vadd.f32 v9, v47  }
0xbe: {  	v4 =	vadd.f32 v4, v51;
	v50 =	vperm.xlane v6, v1;
	v12 =	vadd.f32 v12, v48  }
0xbf: {  	v5 =	vsel vm4, v5, v16;
	v11 =	vadd.f32 v11, v49;
	v52 =	vperm.xlane v9, v1  }
0xc0: {  	v7 =	vadd.f32 v7, v45;
	v6 =	vadd.f32 v6, v50;
	v53 =	vperm.xlane v12, v1  }
0xc1: {  	v5 =	vsel vm5, v5, v13;
	v55 =	vperm.xlane v11, v2;
	v9 =	vadd.f32 v9, v52  }
0xc2: {  	v54 =	vperm.xlane v7, v3;
	v56 =	vperm.xlane v6, v2;
	v12 =	vadd.f32 v12, v53  }
0xc3: {  	v5 =	vsel vm6, v5, v19;
	v11 =	vadd.f32 v11, v55;
	v57 =	vperm.xlane v9, v2  }
0xc4: {  	v5 =	vsel vm7, v5, v8;
	v6 =	vadd.f32 v6, v56;
	v58 =	vperm.xlane v12, v2  }
0xc5: {  	s28 =	simm.s32 $0x0;
	v7 =	vadd.f32 v7, v54;
	v59 =	vperm.xlane v11, v3;
	v9 =	vadd.f32 v9, v57  }
0xc6: {  	v63 =	vld [tilespmem:s28+$0x10600];
	v5 =	vsel vm8, v5, v10;
	v60 =	vperm.xlane v6, v3;
	v12 =	vadd.f32 v12, v58  }
0xc7: {  	v61 =	vld [tilespmem:s28+$0x10400];
	v4 =	vsel vm9, v5, v4;
	v5 =	vadd.f32 v11, v59;
	v62 =	vperm.xlane v9, v3  }
0xc8: {  	v4 =	vsel vm10, v4, v7;
	v6 =	vadd.f32 v6, v60;
	v7 =	vperm.xlane v12, v3  }
0xc9: {  	v4 =	vsel vm11, v4, v5;
	v5 =	vadd.f32 v9, v62  }
0xca: {  	v4 =	vsel vm12, v4, v6;
	v6 =	vadd.f32 v12, v7  }
0xcb: {  	v4 =	vsel vm13, v4, v5  }
0xcc: {  	s25 =	simm.s32 $0x40;
	v5 =	vadd.f32 v63, v61;
	v4 =	vsel vm14, v4, v6  }
.LBB2_2:
0xcd: {  	p0 =	sne.s32 s25, $0x7C0;
	s24 =	sadd.s32 $0x400, s24;
	s23 =	sadd.s32 $0x400, s23  }
0xce: {  	s26 =	smov.u32 s25;
	s25 =	sadd.s32 $0x40, s25;
	v4 =	vsub.f32 v5, v4;
	_ =	sdelay $0x1  }
0xcf: {  	v4 =	vadd.f32 $0.0e+00, v4;
	_ =	sdelay $0x1  }
0xd0: {  	v4 =	vmul.f32 $1.442695020e+00, v4;
	_ =	sdelay $0x1  }
0xd1: {  	(erf) = vpow2.f32 v4;
	_ =	sdelay $0x8  }
0xd2: {  	v4 =	vpop (erf)  }
0xd3: {  	v4 =	vadd.f32 $1.000000000e+00, v4;
	_ =	sdelay $0x1  }
0xd4: {  	(erf) = vrcp.f32 v4;
	_ =	sdelay $0x8  }
0xd5: {  	v4 =	vpop (erf)  }
0xd6: {  	[tilespmem:s28+$0x10800] =	vst v4  }
0xd7: {  	v13 =	vld [tilespmem:s23+$0x1F0]  }
0xd8: {  	v18 =	vld [tilespmem:s24+$0x1F0]  }
0xd9: {  	v14 =	vld [tilespmem:s23+$0x1E0]  }
0xda: {  	v17 =	vld [tilespmem:s24+$0x1E0]  }
0xdb: {  	v4 =	vld [tilespmem:s23+$0x130]  }
0xdc: {  	v16 =	vld [tilespmem:s23+$0x170]  }
0xdd: {  	v5 =	vld [tilespmem:s23+$0x190]  }
0xde: {  	v25 =	vld [tilespmem:s24+$0x170]  }
0xdf: {  	v6 =	vld [tilespmem:s23+$0x160]  }
0xe0: {  	v22 =	vld [tilespmem:s23+$0x150]  }
0xe1: {  	v26 =	vld [tilespmem:s24+$0x150]  }
0xe2: {  	v21 =	vld [tilespmem:s23+$0x120]  }
0xe3: {  	v24 =	vld [tilespmem:s24+$0x120]  }
0xe4: {  	v20 =	vld [tilespmem:s23+$0x110]  }
0xe5: {  	v23 =	vld [tilespmem:s24+$0x110]  }
0xe6: {  	v8 =	vld [tilespmem:s23+$0xE0]  }
0xe7: {  	v9 =	vld [tilespmem:s24+$0xA0]  }
0xe8: {  	v29 =	vld [tilespmem:s23+$0xD0]  }
0xe9: {  	v31 =	vld [tilespmem:s24+$0xD0]  }
0xea: {  	v10 =	vld [tilespmem:s23+$0xC0]  }
0xeb: {  	v27 =	vld [tilespmem:s23+$0xFFFFFFF0]  }
0xec: {  	v30 =	vld [tilespmem:s24+$0xFFFFFFF0]  }
0xed: {  	v28 =	vld [tilespmem:s23+$0x90]  }
0xee: {  	v32 =	vld [tilespmem:s23+$0xFFFFFE40]  }
0xef: {  	v34 =	vld [tilespmem:s24+$0xFFFFFE40]  }
0xf0: {  	v7 =	vld [tilespmem:s23+$0x70]  }
0xf1: {  	v12 =	vld [tilespmem:s24+$0x70]  }
0xf2: {  	v15 =	vld [tilespmem:s23+$0x60]  }
0xf3: {  	v19 =	vld [tilespmem:s24+$0x60]  }
0xf4: {  	v36 =	vld [tilespmem:s24+$0x90]  }
0xf5: {  	v11 =	vld [tilespmem:s23+$0x80]  }
0xf6: {  	v33 =	vld [tilespmem:s24+$0x50]  }
0xf7: {  	v35 =	vld [tilespmem:s23+$0x50]  }
0xf8: {  	v41 =	vld [tilespmem:s23+$0x40];
	v42 =	vmul.f32 v15, v19  }
0xf9: {  	v19 =	vld [tilespmem:s24+$0x40]  }
0xfa: {  	v15 =	vld [tilespmem:s23+$0x20]  }
0xfb: {  	v38 =	vld [tilespmem:s23+$0xFFFFFE10]  }
0xfc: {  	v40 =	vld [tilespmem:s24+$0xFFFFFE10];
	v33 =	vmul.f32 v35, v33  }
0xfd: {  	v37 =	vld [tilespmem:s23+$0x10]  }
0xfe: {  	v39 =	vld [tilespmem:s24+$0x10];
	v35 =	vmul.f32 v41, v19  }
0xff: {  	v19 =	vld [tilespmem:s23+$0x0]  }
0x100: {  	v41 =	vld [tilespmem:s23+$0xFFFFFFD0];
	v35 =	vadd.f32 v33, v35  }
0x101: {  	v43 =	vld [tilespmem:s24+$0xFFFFFFD0]  }
0x102: {  	v7 =	vmul.f32 v7, v12;
	v33 =	vld [tilespmem:s23+$0xFFFFFFC0];
	v35 =	vadd.f32 v42, v35  }
0x103: {  	v44 =	vld [tilespmem:s24+$0xFFFFFEF0]  }
0x104: {  	v12 =	vld [tilespmem:s23+$0xFFFFFFB0];
	v7 =	vadd.f32 v7, v35  }
0x105: {  	v42 =	vld [tilespmem:s24+$0xFFFFFFB0]  }
0x106: {  	v45 =	vld [tilespmem:s23+$0xFFFFFFA0];
	v35 =	vmul.f32 v41, v43;
	v41 =	vperm.xlane v7, v0  }
0x107: {  	v43 =	vld [tilespmem:s24+$0xFFFFFFA0]  }
0x108: {  	v46 =	vld [tilespmem:s23+$0xFFFFFF90];
	v7 =	vadd.f32 v7, v41  }
0x109: {  	v47 =	vld [tilespmem:s24+$0xFFFFFF90]  }
0x10a: {  	v48 =	vld [tilespmem:s23+$0xFFFFFF80];
	v12 =	vmul.f32 v12, v42;
	v42 =	vperm.xlane v7, v1  }
0x10b: {  	v49 =	vld [tilespmem:s24+$0xFFFFFF80]  }
0x10c: {  	v41 =	vld [tilespmem:s23+$0xFFFFFEB0];
	v43 =	vmul.f32 v45, v43;
	v7 =	vadd.f32 v7, v42  }
0x10d: {  	v42 =	vld [tilespmem:s23+$0xFFFFFF70]  }
0x10e: {  	v45 =	vld [tilespmem:s24+$0xFFFFFF70];
	v46 =	vmul.f32 v46, v47;
	v47 =	vperm.xlane v7, v2  }
0x10f: {  	v50 =	vld [tilespmem:s23+$0xFFFFFF60]  }
0x110: {  	v51 =	vld [tilespmem:s24+$0xFFFFFF60];
	v48 =	vmul.f32 v48, v49;
	v7 =	vadd.f32 v7, v47  }
0x111: {  	v47 =	vld [tilespmem:s23+$0xFFFFFF50]  }
0x112: {  	v49 =	vld [tilespmem:s24+$0xFFFFFF50];
	v46 =	vadd.f32 v46, v48;
	v48 =	vperm.xlane v7, v3  }
0x113: {  	v52 =	vld [tilespmem:s23+$0xFFFFFF40];
	v45 =	vmul.f32 v42, v45  }
0x114: {  	v53 =	vld [tilespmem:s24+$0xFFFFFF40];
	v42 =	vadd.f32 v43, v46;
	v7 =	vadd.f32 v7, v48  }
0x115: {  	v43 =	vld [tilespmem:s24+$0xFFFFFF30];
	v46 =	vmul.f32 v50, v51  }
0x116: {  	v48 =	vld [tilespmem:s23+$0xFFFFFF20];
	v12 =	vadd.f32 v12, v42  }
0x117: {  	v42 =	vld [tilespmem:s23+$0xFFFFFE30];
	v47 =	vmul.f32 v47, v49  }
0x118: {  	v49 =	vld [tilespmem:s23+$0xFFFFFF30];
	v50 =	vperm.xlane v12, v0  }
0x119: {  	v51 =	vld [tilespmem:s24+$0xFFFFFF20];
	v52 =	vmul.f32 v52, v53  }
0x11a: {  	v53 =	vld [tilespmem:s23+$0xFFFFFF10];
	v12 =	vadd.f32 v12, v50  }
0x11b: {  	v50 =	vld [tilespmem:s24+$0xFFFFFF10];
	v47 =	vadd.f32 v47, v52  }
0x11c: {  	v52 =	vld [tilespmem:s23+$0xFFFFFF00];
	v54 =	vperm.xlane v12, v1  }
0x11d: {  	v55 =	vld [tilespmem:s24+$0xFFFFFF00];
	v46 =	vadd.f32 v46, v47  }
0x11e: {  	v47 =	vld [tilespmem:s23+$0xFFFFFEA0];
	v48 =	vmul.f32 v48, v51;
	v12 =	vadd.f32 v12, v54  }
0x11f: {  	v51 =	vld [tilespmem:s24+$0xFFFFFEA0];
	v45 =	vadd.f32 v45, v46  }
0x120: {  	v46 =	vld [tilespmem:s23+$0xFFFFFE70];
	v50 =	vmul.f32 v53, v50;
	v53 =	vperm.xlane v12, v2  }
0x121: {  	v54 =	vld [tilespmem:s23+$0xFFFFFEF0];
	v56 =	vperm.xlane v45, v0  }
0x122: {  	v57 =	vld [tilespmem:s23+$0xFFFFFEE0];
	v52 =	vmul.f32 v52, v55;
	v12 =	vadd.f32 v12, v53  }
0x123: {  	v53 =	vld [tilespmem:s24+$0xFFFFFEE0];
	v45 =	vadd.f32 v45, v56  }
0x124: {  	v47 =	vmul.f32 v47, v51;
	v51 =	vld [tilespmem:s23+$0xFFFFFED0];
	v50 =	vadd.f32 v50, v52;
	v52 =	vperm.xlane v12, v3  }
0x125: {  	v55 =	vld [tilespmem:s24+$0xFFFFFED0];
	v56 =	vperm.xlane v45, v1  }
0x126: {  	v43 =	vmul.f32 v49, v43;
	v58 =	vld [tilespmem:s23+$0xFFFFFEC0];
	v48 =	vadd.f32 v48, v50;
	v12 =	vadd.f32 v12, v52  }
0x127: {  	v44 =	vmul.f32 v54, v44;
	v49 =	vld [tilespmem:s24+$0xFFFFFEC0];
	v45 =	vadd.f32 v45, v56  }
0x128: {  	v50 =	vld [tilespmem:s23+$0xFFFFFE20];
	v52 =	vmul.f32 v57, v53;
	v43 =	vadd.f32 v43, v48  }
0x129: {  	v48 =	vld [tilespmem:s23+$0xFFFFFE90];
	v53 =	vperm.xlane v45, v2  }
0x12a: {  	v54 =	vld [tilespmem:s24+$0xFFFFFE90];
	v51 =	vmul.f32 v51, v55;
	v55 =	vperm.xlane v43, v0  }
0x12b: {  	v56 =	vld [tilespmem:s24+$0xFFFFFE60];
	v45 =	vadd.f32 v45, v53  }
0x12c: {  	v13 =	vmul.f32 v13, v18;
	v53 =	vld [tilespmem:s23+$0xFFFFFE80];
	v49 =	vmul.f32 v58, v49;
	v43 =	vadd.f32 v43, v55  }
0x12d: {  	v14 =	vmul.f32 v14, v17;
	v55 =	vld [tilespmem:s23+$0xFFFFFE60];
	v18 =	vperm.xlane v45, v3  }
0x12e: {  	v17 =	vmul.f32 v16, v25;
	v57 =	vld [tilespmem:s24+$0xFFFFFE00];
	v49 =	vadd.f32 v51, v49;
	v51 =	vperm.xlane v43, v1  }
0x12f: {  	v22 =	vmul.f32 v22, v26;
	v25 =	vld [tilespmem:s23+$0xFFFFFE50];
	v48 =	vmul.f32 v48, v54;
	v16 =	vadd.f32 v45, v18  }
0x130: {  	v18 =	vmul.f32 v21, v24;
	v26 =	vld [tilespmem:s24+$0xFFFFFE50];
	v45 =	vadd.f32 v52, v49;
	v43 =	vadd.f32 v43, v51  }
0x131: {  	v20 =	vmul.f32 v20, v23;
	v24 =	vmul.f32 v29, v31;
	v21 =	vld [tilespmem:s23+$0xFFFFFE00]  }
0x132: {  	v27 =	vmul.f32 v27, v30;
	v23 =	vld [tilespmem:s24+$0xFFFFFE80];
	v29 =	vadd.f32 v44, v45;
	v31 =	vperm.xlane v43, v2  }
0x133: {  	v32 =	vmul.f32 v32, v34;
	v28 =	vmul.f32 v28, v36;
	v30 =	vld [tilespmem:s24+$0xFFFFFE20]  }
0x134: {  	v34 =	vmul.f32 v38, v40;
	v36 =	vld [tilespmem:s24+$0xFFFFFE70];
	v38 =	vperm.xlane v29, v0;
	v31 =	vadd.f32 v43, v31  }
0x135: {  	v40 =	vld [tilespmem:s24+$0xFFFFFE30];
	v25 =	vmul.f32 v25, v26;
	v26 =	vmul.f32 v37, v39  }
0x136: {  	v21 =	vmul.f32 v21, v57;
	v37 =	vld [tilespmem:s24+$0xFFFFFEB0];
	v29 =	vadd.f32 v29, v38;
	v38 =	vperm.xlane v31, v3  }
0x137: {  	v25 =	vadd.f32 v25, v32;
	v32 =	vmul.f32 v55, v56;
	v23 =	vmul.f32 v53, v23;
	v39 =	vld [tilespmem:s24+$0xFFFFFFC0]  }
0x138: {  	v21 =	vadd.f32 v34, v21;
	v30 =	vmul.f32 v50, v30;
	v34 =	vperm.xlane v29, v1;
	v43 =	vld [tilespmem:s24+$0x0]  }
0x139: {  	v25 =	vadd.f32 v32, v25;
	v32 =	vmul.f32 v46, v36;
	v23 =	vadd.f32 v48, v23;
	v36 =	vld [tilespmem:s24+$0xFFFFFFE0]  }
0x13a: {  	v21 =	vadd.f32 v30, v21;
	v30 =	vmul.f32 v42, v40;
	v29 =	vadd.f32 v29, v34;
	v34 =	vld [tilespmem:s24+$0x20]  }
0x13b: {  	v25 =	vadd.f32 v32, v25;
	v23 =	vadd.f32 v47, v23;
	v32 =	vmul.f32 v41, v37;
	v37 =	vld [tilespmem:s23+$0xFFFFFFE0]  }
0x13c: {  	v21 =	vadd.f32 v30, v21;
	v30 =	vperm.xlane v29, v2;
	v33 =	vmul.f32 v33, v39;
	v39 =	vld [tilespmem:s24+$0x80]  }
0x13d: {  	v40 =	vperm.xlane v25, v0;
	v23 =	vadd.f32 v32, v23;
	v19 =	vmul.f32 v19, v43;
	v32 =	vld [tilespmem:s23+$0x30]  }
0x13e: {  	v41 =	vperm.xlane v21, v0;
	v29 =	vadd.f32 v29, v30;
	v30 =	vadd.f32 v35, v33;
	v33 =	vld [tilespmem:s24+$0x30]  }
0x13f: {  	v25 =	vadd.f32 v25, v40;
	v35 =	vperm.xlane v23, v0;
	v15 =	vmul.f32 v15, v34;
	v34 =	vld [tilespmem:s24+$0xC0]  }
0x140: {  	v21 =	vadd.f32 v21, v41;
	v40 =	vperm.xlane v29, v3;
	v36 =	vmul.f32 v37, v36;
	v37 =	vld [tilespmem:s23+$0xA0]  }
0x141: {  	v19 =	vadd.f32 v26, v19;
	v41 =	vperm.xlane v25, v1;
	v23 =	vadd.f32 v23, v35;
	v26 =	vld [tilespmem:s24+$0xE0]  }
0x142: {  	v35 =	vperm.xlane v21, v1;
	v29 =	vadd.f32 v29, v40;
	v30 =	vadd.f32 v36, v30;
	v36 =	vld [tilespmem:s23+$0x100]  }
0x143: {  	v15 =	vadd.f32 v15, v19;
	v11 =	vmul.f32 v11, v39;
	v40 =	vperm.xlane v23, v1;
	v19 =	vld [tilespmem:s23+$0xB0]  }
0x144: {  	v31 =	vadd.f32 v31, v38;
	v32 =	vmul.f32 v32, v33;
	v33 =	vld [tilespmem:s24+$0xB0];
	v10 =	vmul.f32 v10, v34  }
0x145: {  	v11 =	vadd.f32 v28, v11;
	v23 =	vadd.f32 v23, v40;
	v9 =	vmul.f32 v37, v9;
	v28 =	vld [tilespmem:s24+$0x100]  }
0x146: {  	v25 =	vadd.f32 v25, v41;
	v21 =	vadd.f32 v21, v35;
	v8 =	vmul.f32 v8, v26;
	v26 =	vld [tilespmem:s23+$0x140]  }
0x147: {  	v27 =	vadd.f32 v27, v30;
	v15 =	vadd.f32 v32, v15;
	v34 =	vperm.xlane v23, v2;
	v30 =	vld [tilespmem:s24+$0x140]  }
0x148: {  	v35 =	vperm.xlane v25, v2;
	v32 =	vperm.xlane v21, v2;
	v10 =	vadd.f32 v24, v10;
	v24 =	vld [tilespmem:s23+$0xF0]  }
0x149: {  	v23 =	vadd.f32 v23, v34;
	v34 =	vperm.xlane v27, v0;
	v19 =	vmul.f32 v19, v33;
	v33 =	vld [tilespmem:s24+$0xF0]  }
0x14a: {  	v25 =	vadd.f32 v25, v35;
	v21 =	vadd.f32 v21, v32;
	v28 =	vmul.f32 v36, v28;
	v32 =	vld [tilespmem:s24+$0x160]  }
0x14b: {  	v9 =	vadd.f32 v9, v11;
	v35 =	vperm.xlane v23, v3;
	v27 =	vadd.f32 v27, v34;
	v11 =	vld [tilespmem:s24+$0x190]  }
0x14c: {  	v8 =	vadd.f32 v8, v10;
	v34 =	vperm.xlane v21, v3;
	v10 =	vmul.f32 v26, v30;
	v26 =	vld [tilespmem:s23+$0x180]  }
0x14d: {  	v30 =	vperm.xlane v25, v3;
	v23 =	vadd.f32 v23, v35;
	v35 =	vperm.xlane v27, v1;
	v36 =	vld [tilespmem:s24+$0x180]  }
0x14e: {  	v21 =	vadd.f32 v21, v34;
	v34 =	vperm.xlane v15, v0;
	v37 =	vld [tilespmem:s24+$0x130];
	v10 =	vadd.f32 v22, v10  }
0x14f: {  	v24 =	vmul.f32 v24, v33;
	v22 =	vadd.f32 v27, v35;
	v6 =	vmul.f32 v6, v32  }
0x150: {  	v25 =	vadd.f32 v25, v30;
	v15 =	vadd.f32 v15, v34;
	v5 =	vmul.f32 v5, v11  }
0x151: {  	v9 =	vadd.f32 v19, v9;
	v19 =	vadd.f32 v20, v28;
	v11 =	vperm.xlane v22, v2  }
0x152: {  	v8 =	vadd.f32 v24, v8;
	v20 =	vperm.xlane v15, v1;
	v24 =	vmul.f32 v26, v36;
	v26 =	vld [tilespmem:s23+$0x1A0]  }
0x153: {  	v11 =	vadd.f32 v22, v11;
	v22 =	vperm.xlane v9, v0;
	v4 =	vmul.f32 v4, v37;
	v27 =	vld [tilespmem:s24+$0x1A0]  }
0x154: {  	v18 =	vadd.f32 v18, v19;
	v15 =	vadd.f32 v15, v20;
	v20 =	vperm.xlane v8, v0  }
0x155: {  	v6 =	vadd.f32 v6, v10;
	v19 =	vperm.xlane v11, v3;
	v9 =	vadd.f32 v9, v22;
	v10 =	vld [tilespmem:s23+$0x1D0]  }
0x156: {  	v22 =	vperm.xlane v15, v2;
	v8 =	vadd.f32 v8, v20;
	v4 =	vadd.f32 v4, v18;
	v18 =	vld [tilespmem:s24+$0x1C0]  }
0x157: {  	v6 =	vadd.f32 v17, v6;
	v11 =	vadd.f32 v11, v19;
	v19 =	vperm.xlane v9, v1;
	v17 =	vld [tilespmem:s24+$0x1D0]  }
0x158: {  	v15 =	vadd.f32 v15, v22;
	v20 =	vperm.xlane v8, v1;
	v22 =	vmul.f32 v26, v27;
	v26 =	vld [tilespmem:s23+$0x1B0]  }
0x159: {  	v21 =	vsel vm0, v21, v25;
	v9 =	vadd.f32 v9, v19;
	v19 =	vperm.xlane v4, v0;
	v25 =	vld [tilespmem:s24+$0x1B0]  }
0x15a: {  	v5 =	vadd.f32 v5, v24;
	v27 =	vperm.xlane v15, v3;
	v8 =	vadd.f32 v8, v20;
	v20 =	vld [tilespmem:s23+$0x1C0]  }
0x15b: {  	v21 =	vsel vm1, v21, v23;
	v23 =	vperm.xlane v9, v2;
	v4 =	vadd.f32 v4, v19  }
0x15c: {  	v15 =	vadd.f32 v15, v27;
	v19 =	vperm.xlane v8, v2;
	v10 =	vmul.f32 v10, v17  }
0x15d: {  	v5 =	vadd.f32 v22, v5;
	v17 =	vsel vm2, v21, v29;
	v9 =	vadd.f32 v9, v23  }
0x15e: {  	v22 =	vperm.xlane v6, v0;
	v17 =	vsel vm3, v17, v31;
	v21 =	vperm.xlane v4, v1  }
0x15f: {  	v8 =	vadd.f32 v8, v19;
	v16 =	vsel vm4, v17, v16;
	v17 =	vmul.f32 v26, v25  }
0x160: {  	v6 =	vadd.f32 v6, v22;
	v19 =	vperm.xlane v9, v3;
	v18 =	vmul.f32 v20, v18  }
0x161: {  	v12 =	vsel vm5, v16, v12;
	v16 =	vperm.xlane v8, v3;
	v5 =	vadd.f32 v17, v5  }
0x162: {  	v17 =	vperm.xlane v6, v1;
	v9 =	vadd.f32 v9, v19;
	v10 =	vadd.f32 v10, v18  }
0x163: {  	v11 =	vsel vm6, v12, v11;
	v8 =	vadd.f32 v8, v16;
	v12 =	vperm.xlane v5, v0  }
0x164: {  	v11 =	vsel vm7, v11, v15;
	v6 =	vadd.f32 v6, v17;
	v10 =	vadd.f32 v14, v10  }
0x165: {  	v4 =	vadd.f32 v4, v21;
	v7 =	vsel vm8, v11, v7;
	v5 =	vadd.f32 v5, v12  }
0x166: {  	v7 =	vsel vm9, v7, v9;
	v9 =	vperm.xlane v6, v2;
	v10 =	vadd.f32 v13, v10  }
0x167: {  	v7 =	vsel vm10, v7, v8;
	v8 =	vperm.xlane v4, v2;
	v11 =	vperm.xlane v5, v1  }
0x168: {  	v6 =	vadd.f32 v6, v9;
	v9 =	vperm.xlane v10, v0  }
0x169: {  	v4 =	vadd.f32 v4, v8;
	v5 =	vadd.f32 v5, v11  }
0x16a: {  	v8 =	vperm.xlane v6, v3;
	v9 =	vadd.f32 v10, v9  }
0x16b: {  	v10 =	vperm.xlane v4, v3;
	v11 =	vperm.xlane v5, v2  }
0x16c: {  	v6 =	vadd.f32 v6, v8;
	v8 =	vperm.xlane v9, v1  }
0x16d: {  	v4 =	vadd.f32 v4, v10;
	v5 =	vadd.f32 v5, v11  }
0x16e: {  	v8 =	vadd.f32 v9, v8  }
0x16f: {  	v4 =	vsel vm11, v7, v4;
	v7 =	vperm.xlane v5, v3  }
0x170: {  	v9 =	vperm.xlane v8, v2  }
0x171: {  	s28 =	sshra.s32 s26, $0x2;
	v5 =	vadd.f32 v5, v7  }
0x172: {  	v7 =	vadd.f32 v8, v9;
	v8 =	vld [tilespmem:s28+$0x10400]  }
0x173: {  	v9 =	vld [tilespmem:s28+$0x10600]  }
.Ltmp0:
0x174: {  	v10 =	vperm.xlane v7, v3;
	(pc) =	sbr.rel @p0 .LBB2_2-.Ltmp0, $4  }
0x175: {  	_ = 	snop  }
0x176: {  	v4 =	vsel vm12, v4, v6;
	v6 =	vadd.f32 v7, v10  }
0x177: {  	v4 =	vsel vm13, v4, v5  }
0x178: {  	v4 =	vsel vm14, v4, v6;
	v5 =	vadd.f32 v9, v8  }
0x179: {  	_ = 	snop  }
0x17a: {  	v4 =	vsub.f32 v5, v4;
	_ =	sdelay $0x1  }
0x17b: {  	v4 =	vadd.f32 $0.0e+00, v4;
	_ =	sdelay $0x1  }
0x17c: {  	v4 =	vmul.f32 $1.442695020e+00, v4;
	_ =	sdelay $0x1  }
0x17d: {  	(erf) = vpow2.f32 v4;
	_ =	sdelay $0x8  }
0x17e: {  	v4 =	vpop (erf)  }
0x17f: {  	v4 =	vadd.f32 $1.000000000e+00, v4;
	_ =	sdelay $0x1  }
0x180: {  	(erf) = vrcp.f32 v4;
	_ =	sdelay $0x7  }
0x181: {  	s22 =	sadd.s32 $0x1, s22  }
0x182: {  	p0 =	sne.s32 s22, s10;
	v4 =	vpop (erf)  }
.Ltmp1:
0x183: {  	[tilespmem:s28+$0x10800] =	vst v4;
	(pc) =	sbr.rel @p0 .LBB2_1-.Ltmp1, $4  }
0x184: {  	[hbm4b:s9+s2] =	stream.linear.scatter [tilespmem:s21], [sflag:$0x5], $0x200, $0x38;
	[tilespmem:$0x10A00] =	vst v63  }
0x185: {  	_ =	swait.ge [sflag:s11], $0x200  }
0x186: {  	[sflag:s11] =	ssyncset.done $0x0  }
0x187: {  	[sflag:s11] =	ssyncadd.s32 $0xFFFFFE00  }
0x188: {  	_ =	sfence.sel $0x180000  }
0x189: {  	[bflag:$0x0] =	sbarrier.arrive $0xFFFF  }
0x18a: {  	p0 =	sne.s32 s1, $0x0;
	_ =	strace $0x90000047  }
0x18b: {  	s0 =	sadd.s32 @!p0 $0x100000, s0;
	[bflag:$0x2] =	sbarrier.arrive $0xFFFF  }
0x18c: {  	[sflag:s0] =	ssyncadd.tile.s32 @!p0 $0x1;
	_ =	shalt  }
.Lfunc_end2:
_tile_overlayer_lowered:
.L_overlay_start_2:
0x18d: {  	(tag) =	ssettag $0x2  }
0x18e: {  	s0 =	rddreg [dreg:$0x0];
	s2 =	stileid.u32  }
0x18f: {  	s1 =	rddreg [dreg:$0x1];
	p0 =	sne.s32 s2, $0x0  }
0x190: {  	s3 =	rddreg [dreg:$0x2];
	[bflag:$0x3] =	sbarrier.arrive $0xFFFF;
	s2 =	simm.s32 @!p0 $0x1C05  }
0x191: {  	[timem:s3], [sflag:s2] =	dma.local @!p0 [hbm:s0], s1  }
0x192: {  	s0 =	simm.s32 @!p0 $0x5  }
0x193: {  	_ =	swait.ge @!p0 [sflag:s0], s1  }
0x194: {  	s1 =	ssub.s32 @!p0 $0x0, s1;
	[sflag:s0] =	ssyncset.done @!p0 $0x0  }
0x195: {  	[sflag:s0] =	ssyncadd.s32 @!p0 s1  }
0x196: {  	[bflag:$0x3] =	sbarrier.arrive $0xFFFF  }
0x197: {  	_ =	shalt  }

</sc_bundles>
